<compile_context>
chip_gen: v7x
topology: tpu7x:2x2x1
jax: 0.10.2.dev20260603
libtpu: 0.0.44.dev20260713+nightly
codegen_flags: <defaults>
</compile_context>

<pallas_src>
import functools

import jax
import jax.numpy as jnp
from jax import lax
from jax.experimental import pallas as pl
from jax.experimental.pallas import tpu as pltpu
from jax.experimental.pallas import tpu_sc as plsc

_NC = 2
_NS = 16
_NW = _NC * _NS
_L = 16

_R = 4
_NBUF = 2


def _sc_permute(zf, perm_i32):
    n_elems, = zf.shape
    d = 4096
    n_rows = n_elems // d
    rows_per_tile = n_rows // _NW
    groups = rows_per_tile // _R
    n_chunks = d // _L

    mesh = plsc.VectorSubcoreMesh(core_axis_name="c", subcore_axis_name="s")

    @functools.partial(
        pl.kernel,
        out_type=jax.ShapeDtypeStruct((n_elems,), jnp.float32),
        mesh=mesh,
        scratch_types=[
            pltpu.VMEM((d,), jnp.int32),
            [pltpu.VMEM((_R * d,), jnp.float32) for _ in range(_NBUF)],
            [pltpu.VMEM((_R * d,), jnp.float32) for _ in range(_NBUF)],
            [pltpu.SemaphoreType.DMA for _ in range(_NBUF)],
            [pltpu.SemaphoreType.DMA for _ in range(_NBUF)],
        ],
        compiler_params=pltpu.CompilerParams(needs_layout_passes=False),
    )
    def permute_kernel(z_hbm, perm_hbm, out_hbm, perm_v, inbufs, outbufs,
                       in_sems, out_sems):
        wid = lax.axis_index("s") * _NC + lax.axis_index("c")
        base = wid * (rows_per_tile * d)

        pltpu.sync_copy(perm_hbm, perm_v)

        def start_in(g, b):
            pltpu.async_copy(
                z_hbm.at[pl.ds(base + g * (_R * d), _R * d)], inbufs[b],
                in_sems[b])

        def wait_in(b):
            pltpu.make_async_copy(
                z_hbm.at[pl.ds(0, _R * d)], inbufs[b], in_sems[b]).wait()

        def start_out(g, b):
            pltpu.async_copy(
                outbufs[b], out_hbm.at[pl.ds(base + g * (_R * d), _R * d)],
                out_sems[b])

        def wait_out(b):
            pltpu.make_async_copy(
                outbufs[b], out_hbm.at[pl.ds(0, _R * d)], out_sems[b]).wait()

        def permute_group(inbuf, outbuf):
            @plsc.parallel_loop(0, n_chunks, unroll=4)
            def _(j):
                col = perm_v[pl.ds(j * _L, _L)]
                for r in range(_R):
                    outbuf[pl.ds(r * d + j * _L, _L)] = plsc.load_gather(
                        inbuf, [col + (r * d)])

        for b in range(_NBUF):
            start_in(b, b)

        def gbody(gg, carry):
            for b in range(_NBUF):
                g = gg * _NBUF + b
                wait_in(b)

                @pl.when(gg > 0)
                def _():
                    wait_out(b)

                permute_group(inbufs[b], outbufs[b])
                start_out(g, b)

                @pl.when(g + _NBUF < groups)
                def _():
                    start_in(g + _NBUF, b)
            return carry

        lax.fori_loop(0, groups // _NBUF, gbody, 0)

        for b in range(_NBUF):
            wait_out(b)

    return permute_kernel(zf, perm_i32)


def kernel(z, perm):
    b, s, d = z.shape
    zf = z.reshape(b * s * d)
    out = _sc_permute(zf, perm.astype(jnp.int32))
    return out.reshape(b, s, d)

# --- scband reference (transcript-rebuilt; emitter-appended) ---
"""Pipeline reference for scband-permutation-layer-3075196584042 (READ-ONLY COPY).

The authoritative reference and input builder live on the scoring server;
editing this copy changes nothing except your own understanding.
"""

import jax, jax.numpy as jnp
import numpy as np


def setup_inputs(seed: int = 0) -> dict:
    key = jax.random.key(seed)
    k1, k2 = jax.random.split(key)
    z = jax.random.normal(k1, (4, 8192, 4096), dtype=jnp.float32)
    # perm is created in __init__ via torch.randperm(dim_size); it is a fixed buffer
    perm = jax.random.permutation(k2, 4096).astype(jnp.int64)
    return {"z": z, "perm": perm}


def reference(z, perm):
    # PermutationLayer.forward: z[..., self.perm]
    return jnp.take(z, perm, axis=-1)

if __name__ == "__main__":
    import jax
    _d = setup_inputs()
    print(jax.jit(kernel)(*tuple(_d.values())))

</pallas_src>

<mosaic_0001>
#map = affine_map<(d0, d1) -> (0)>
module attributes {stable_mosaic.version = 14 : i64} {
  func.func @permute_kernel(%arg0: i32, %arg1: i32, %arg2: memref<134217728xf32, #tpu.memory_space<hbm>>, %arg3: memref<4096xi32, #tpu.memory_space<hbm>>, %arg4: memref<134217728xf32, #tpu.memory_space<hbm>>, %arg5: memref<4096xi32, #tpu.memory_space<vmem>>, %arg6: memref<16384xf32, #tpu.memory_space<vmem>>, %arg7: memref<16384xf32, #tpu.memory_space<vmem>>, %arg8: memref<16384xf32, #tpu.memory_space<vmem>>, %arg9: memref<16384xf32, #tpu.memory_space<vmem>>, %arg10: memref<!tpu.dma_semaphore, #tpu.memory_space<semaphore_mem>>, %arg11: memref<!tpu.dma_semaphore, #tpu.memory_space<semaphore_mem>>, %arg12: memref<!tpu.dma_semaphore, #tpu.memory_space<semaphore_mem>>, %arg13: memref<!tpu.dma_semaphore, #tpu.memory_space<semaphore_mem>>) attributes {dimension_semantics = [#tpu.dimension_semantics<core_parallel>, #tpu.dimension_semantics<subcore_parallel>], iteration_bounds = array<i64: 2, 16>, scalar_prefetch = 0 : i64, scratch_operands = 9 : i64, tpu.core_type = #tpu.core_type<sc_vector_subcore>, window_params = [{transform_indices = #map}, {transform_indices = #map}, {transform_indices = #map}]} {
    %mul3A = arith.constant 2 : i32
    %mul3A_0 = arith.muli %arg1, %mul3A : i32
    %add3A = arith.addi %mul3A_0, %arg0 : i32
    %mul3A_1 = arith.constant 4194304 : i32
    %mul3A_2 = arith.muli %add3A, %mul3A_1 : i32
    "tpu.region"() ({
      %run_scoped3A = tpu.sem_alloc : memref<!tpu.dma_semaphore, #tpu.memory_space<semaphore_mem>>
      tpu.enqueue_dma source(%arg3 : memref<4096xi32, #tpu.memory_space<hbm>>) target(%arg5 : memref<4096xi32, #tpu.memory_space<vmem>>) target_semaphore(%run_scoped3A : memref<!tpu.dma_semaphore, #tpu.memory_space<semaphore_mem>>)
      tpu.wait_dma2 semaphore(%run_scoped3A : memref<!tpu.dma_semaphore, #tpu.memory_space<semaphore_mem>>) src(%arg3 : memref<4096xi32, #tpu.memory_space<hbm>>) dst(%arg5 : memref<4096xi32, #tpu.memory_space<vmem>>)
      tpu.yield
    }) : () -> ()
    %add3A_3 = arith.constant 0 : i32
    %add3A_4 = arith.addi %mul3A_2, %add3A_3 : i32
    %dma_start3A = tpu.memref_slice %arg2[%add3A_4] : memref<134217728xf32, #tpu.memory_space<hbm>> -> memref<16384xf32, #tpu.memory_space<hbm>>
    %dma_start3A_5 = tpu.memref_slice %arg2[%add3A_4] : memref<134217728xf32, #tpu.memory_space<hbm>> -> memref<16384xf32, #tpu.memory_space<hbm>>
    tpu.enqueue_dma source(%dma_start3A_5 : memref<16384xf32, #tpu.memory_space<hbm>>) target(%arg6 : memref<16384xf32, #tpu.memory_space<vmem>>) target_semaphore(%arg10 : memref<!tpu.dma_semaphore, #tpu.memory_space<semaphore_mem>>)
    %add3A_6 = arith.constant 16384 : i32
    %add3A_7 = arith.addi %mul3A_2, %add3A_6 : i32
    %dma_start3A_8 = tpu.memref_slice %arg2[%add3A_7] : memref<134217728xf32, #tpu.memory_space<hbm>> -> memref<16384xf32, #tpu.memory_space<hbm>>
    %dma_start3A_9 = tpu.memref_slice %arg2[%add3A_7] : memref<134217728xf32, #tpu.memory_space<hbm>> -> memref<16384xf32, #tpu.memory_space<hbm>>
    tpu.enqueue_dma source(%dma_start3A_9 : memref<16384xf32, #tpu.memory_space<hbm>>) target(%arg7 : memref<16384xf32, #tpu.memory_space<vmem>>) target_semaphore(%arg11 : memref<!tpu.dma_semaphore, #tpu.memory_space<semaphore_mem>>)
    %scan3A = arith.constant 0 : i32
    %scan3A_10 = arith.constant 0 : i32
    %scan3A_11 = arith.constant 128 : i32
    %scan3A_12 = arith.addi %scan3A_10, %scan3A_11 : i32
    %scan3A_13 = arith.constant 1 : i32
    scf.for %scan3A_22 = %scan3A_10 to %scan3A_12 step %scan3A_13  : i32 {
      %mul3A_23 = arith.constant 2 : i32
      %mul3A_24 = arith.muli %scan3A_22, %mul3A_23 : i32
      %add3A_25 = arith.constant 0 : i32
      %add3A_26 = arith.addi %mul3A_24, %add3A_25 : i32
      %dma_wait3A_27 = arith.constant 0 : i32
      %dma_wait3A_28 = tpu.memref_slice %arg2[%dma_wait3A_27] : memref<134217728xf32, #tpu.memory_space<hbm>> -> memref<16384xf32, #tpu.memory_space<hbm>>
      %dma_wait3A_29 = arith.constant 0 : i32
      %dma_wait3A_30 = tpu.memref_slice %arg2[%dma_wait3A_29] : memref<134217728xf32, #tpu.memory_space<hbm>> -> memref<16384xf32, #tpu.memory_space<hbm>>
      tpu.wait_dma2 semaphore(%arg10 : memref<!tpu.dma_semaphore, #tpu.memory_space<semaphore_mem>>) src(%dma_wait3A_30 : memref<16384xf32, #tpu.memory_space<hbm>>) dst(%arg6 : memref<16384xf32, #tpu.memory_space<vmem>>)
      %gt3A = arith.constant 0 : i32
      %gt3A_31 = arith.cmpi sgt, %scan3A_22, %gt3A : i32
      %convert_element_type3A = arith.extui %gt3A_31 : i1 to i32
      %cond3A = arith.constant 0 : i32
      %cond3A_32 = arith.cmpi ne, %convert_element_type3A, %cond3A : i32
      scf.if %cond3A_32 {
        %dma_wait3A_74 = arith.constant 0 : i32
        %dma_wait3A_75 = tpu.memref_slice %arg4[%dma_wait3A_74] : memref<134217728xf32, #tpu.memory_space<hbm>> -> memref<16384xf32, #tpu.memory_space<hbm>>
        %dma_wait3A_76 = arith.constant 0 : i32
        %dma_wait3A_77 = tpu.memref_slice %arg4[%dma_wait3A_76] : memref<134217728xf32, #tpu.memory_space<hbm>> -> memref<16384xf32, #tpu.memory_space<hbm>>
        tpu.wait_dma2 semaphore(%arg12 : memref<!tpu.dma_semaphore, #tpu.memory_space<semaphore_mem>>) src(%arg8 : memref<16384xf32, #tpu.memory_space<vmem>>) dst(%dma_wait3A_77 : memref<16384xf32, #tpu.memory_space<hbm>>)
      } else {
      }
      %parallel_loop3A = arith.constant 0 : i32
      %parallel_loop3A_33 = arith.constant 256 : i32
      %parallel_loop3A_34 = arith.constant 1 : i32
      scf.for %parallel_loop3A_74 = %parallel_loop3A to %parallel_loop3A_33 step %parallel_loop3A_34  : i32 {
        %parallel_loop3A_75 = arith.constant 16 : i32
        %parallel_loop3A_76 = arith.muli %parallel_loop3A_74, %parallel_loop3A_75 : i32
        %parallel_loop3A_77 = arith.index_cast %parallel_loop3A_76 : i32 to index
        %parallel_loop3A_78 = tpu.vector_load %arg5[%parallel_loop3A_77] {strides = array<i32>} : memref<4096xi32, #tpu.memory_space<vmem>>, vector<16xi32>,
        %parallel_loop3A_79 = arith.constant 0 : i32
        %parallel_loop3A_80 = vector.broadcast %parallel_loop3A_79 : i32 to vector<16xi32>
        %parallel_loop3A_81 = arith.addi %parallel_loop3A_78, %parallel_loop3A_80 : vector<16xi32>
        %parallel_loop3A_82 = tpu.vector_load_idx %arg6[%parallel_loop3A_81] : memref<16384xf32, #tpu.memory_space<vmem>>[vector<16xi32>], vector<16xf32>,
        %parallel_loop3A_83 = arith.constant 16 : i32
        %parallel_loop3A_84 = arith.muli %parallel_loop3A_74, %parallel_loop3A_83 : i32
        %parallel_loop3A_85 = arith.constant 0 : i32
        %parallel_loop3A_86 = arith.addi %parallel_loop3A_85, %parallel_loop3A_84 : i32
        %parallel_loop3A_87 = arith.index_cast %parallel_loop3A_86 : i32 to index
        %parallel_loop3A_88 = tpu.vector_load %arg8[%parallel_loop3A_87] {strides = array<i32>} : memref<16384xf32, #tpu.memory_space<vmem>>, vector<16xf32>,
        tpu.vector_store %arg8[%parallel_loop3A_87], %parallel_loop3A_82 {strides = array<i32>} : memref<16384xf32, #tpu.memory_space<vmem>>, vector<16xf32>,
        %parallel_loop3A_89 = arith.constant 4096 : i32
        %parallel_loop3A_90 = vector.broadcast %parallel_loop3A_89 : i32 to vector<16xi32>
        %parallel_loop3A_91 = arith.addi %parallel_loop3A_78, %parallel_loop3A_90 : vector<16xi32>
        %parallel_loop3A_92 = tpu.vector_load_idx %arg6[%parallel_loop3A_91] : memref<16384xf32, #tpu.memory_space<vmem>>[vector<16xi32>], vector<16xf32>,
        %parallel_loop3A_93 = arith.constant 16 : i32
        %parallel_loop3A_94 = arith.muli %parallel_loop3A_74, %parallel_loop3A_93 : i32
        %parallel_loop3A_95 = arith.constant 4096 : i32
        %parallel_loop3A_96 = arith.addi %parallel_loop3A_95, %parallel_loop3A_94 : i32
        %parallel_loop3A_97 = arith.index_cast %parallel_loop3A_96 : i32 to index
        %parallel_loop3A_98 = tpu.vector_load %arg8[%parallel_loop3A_97] {strides = array<i32>} : memref<16384xf32, #tpu.memory_space<vmem>>, vector<16xf32>,
        tpu.vector_store %arg8[%parallel_loop3A_97], %parallel_loop3A_92 {strides = array<i32>} : memref<16384xf32, #tpu.memory_space<vmem>>, vector<16xf32>,
        %parallel_loop3A_99 = arith.constant 8192 : i32
        %parallel_loop3A_100 = vector.broadcast %parallel_loop3A_99 : i32 to vector<16xi32>
        %parallel_loop3A_101 = arith.addi %parallel_loop3A_78, %parallel_loop3A_100 : vector<16xi32>
        %parallel_loop3A_102 = tpu.vector_load_idx %arg6[%parallel_loop3A_101] : memref<16384xf32, #tpu.memory_space<vmem>>[vector<16xi32>], vector<16xf32>,
        %parallel_loop3A_103 = arith.constant 16 : i32
        %parallel_loop3A_104 = arith.muli %parallel_loop3A_74, %parallel_loop3A_103 : i32
        %parallel_loop3A_105 = arith.constant 8192 : i32
        %parallel_loop3A_106 = arith.addi %parallel_loop3A_105, %parallel_loop3A_104 : i32
        %parallel_loop3A_107 = arith.index_cast %parallel_loop3A_106 : i32 to index
        %parallel_loop3A_108 = tpu.vector_load %arg8[%parallel_loop3A_107] {strides = array<i32>} : memref<16384xf32, #tpu.memory_space<vmem>>, vector<16xf32>,
        tpu.vector_store %arg8[%parallel_loop3A_107], %parallel_loop3A_102 {strides = array<i32>} : memref<16384xf32, #tpu.memory_space<vmem>>, vector<16xf32>,
        %parallel_loop3A_109 = arith.constant 12288 : i32
        %parallel_loop3A_110 = vector.broadcast %parallel_loop3A_109 : i32 to vector<16xi32>
        %parallel_loop3A_111 = arith.addi %parallel_loop3A_78, %parallel_loop3A_110 : vector<16xi32>
        %parallel_loop3A_112 = tpu.vector_load_idx %arg6[%parallel_loop3A_111] : memref<16384xf32, #tpu.memory_space<vmem>>[vector<16xi32>], vector<16xf32>,
        %parallel_loop3A_113 = arith.constant 16 : i32
        %parallel_loop3A_114 = arith.muli %parallel_loop3A_74, %parallel_loop3A_113 : i32
        %parallel_loop3A_115 = arith.constant 12288 : i32
        %parallel_loop3A_116 = arith.addi %parallel_loop3A_115, %parallel_loop3A_114 : i32
        %parallel_loop3A_117 = arith.index_cast %parallel_loop3A_116 : i32 to index
        %parallel_loop3A_118 = tpu.vector_load %arg8[%parallel_loop3A_117] {strides = array<i32>} : memref<16384xf32, #tpu.memory_space<vmem>>, vector<16xf32>,
        tpu.vector_store %arg8[%parallel_loop3A_117], %parallel_loop3A_112 {strides = array<i32>} : memref<16384xf32, #tpu.memory_space<vmem>>, vector<16xf32>,
      } {sc.loop_unroll_factor = 4 : i64, sc.parallel_access}
      %mul3A_35 = arith.constant 16384 : i32
      %mul3A_36 = arith.muli %add3A_26, %mul3A_35 : i32
      %add3A_37 = arith.addi %mul3A_2, %mul3A_36 : i32
      %dma_start3A_38 = tpu.memref_slice %arg4[%add3A_37] : memref<134217728xf32, #tpu.memory_space<hbm>> -> memref<16384xf32, #tpu.memory_space<hbm>>
      %dma_start3A_39 = tpu.memref_slice %arg4[%add3A_37] : memref<134217728xf32, #tpu.memory_space<hbm>> -> memref<16384xf32, #tpu.memory_space<hbm>>
      tpu.enqueue_dma source(%arg8 : memref<16384xf32, #tpu.memory_space<vmem>>) target(%dma_start3A_39 : memref<16384xf32, #tpu.memory_space<hbm>>) target_semaphore(%arg12 : memref<!tpu.dma_semaphore, #tpu.memory_space<semaphore_mem>>)
      %add3A_40 = arith.constant 2 : i32
      %add3A_41 = arith.addi %add3A_26, %add3A_40 : i32
      %lt3A = arith.constant 256 : i32
      %lt3A_42 = arith.cmpi slt, %add3A_41, %lt3A : i32
      %convert_element_type3A_43 = arith.extui %lt3A_42 : i1 to i32
      %cond3A_44 = arith.constant 0 : i32
      %cond3A_45 = arith.cmpi ne, %convert_element_type3A_43, %cond3A_44 : i32
      scf.if %cond3A_45 {
        %add3A_74 = arith.constant 2 : i32
        %add3A_75 = arith.addi %add3A_26, %add3A_74 : i32
        %mul3A_76 = arith.constant 16384 : i32
        %mul3A_77 = arith.muli %add3A_75, %mul3A_76 : i32
        %add3A_78 = arith.addi %mul3A_2, %mul3A_77 : i32
        %dma_start3A_79 = tpu.memref_slice %arg2[%add3A_78] : memref<134217728xf32, #tpu.memory_space<hbm>> -> memref<16384xf32, #tpu.memory_space<hbm>>
        %dma_start3A_80 = tpu.memref_slice %arg2[%add3A_78] : memref<134217728xf32, #tpu.memory_space<hbm>> -> memref<16384xf32, #tpu.memory_space<hbm>>
        tpu.enqueue_dma source(%dma_start3A_80 : memref<16384xf32, #tpu.memory_space<hbm>>) target(%arg6 : memref<16384xf32, #tpu.memory_space<vmem>>) target_semaphore(%arg10 : memref<!tpu.dma_semaphore, #tpu.memory_space<semaphore_mem>>)
      } else {
      }
      %mul3A_46 = arith.constant 2 : i32
      %mul3A_47 = arith.muli %scan3A_22, %mul3A_46 : i32
      %add3A_48 = arith.constant 1 : i32
      %add3A_49 = arith.addi %mul3A_47, %add3A_48 : i32
      %dma_wait3A_50 = arith.constant 0 : i32
      %dma_wait3A_51 = tpu.memref_slice %arg2[%dma_wait3A_50] : memref<134217728xf32, #tpu.memory_space<hbm>> -> memref<16384xf32, #tpu.memory_space<hbm>>
      %dma_wait3A_52 = arith.constant 0 : i32
      %dma_wait3A_53 = tpu.memref_slice %arg2[%dma_wait3A_52] : memref<134217728xf32, #tpu.memory_space<hbm>> -> memref<16384xf32, #tpu.memory_space<hbm>>
      tpu.wait_dma2 semaphore(%arg11 : memref<!tpu.dma_semaphore, #tpu.memory_space<semaphore_mem>>) src(%dma_wait3A_53 : memref<16384xf32, #tpu.memory_space<hbm>>) dst(%arg7 : memref<16384xf32, #tpu.memory_space<vmem>>)
      %gt3A_54 = arith.constant 0 : i32
      %gt3A_55 = arith.cmpi sgt, %scan3A_22, %gt3A_54 : i32
      %convert_element_type3A_56 = arith.extui %gt3A_55 : i1 to i32
      %cond3A_57 = arith.constant 0 : i32
      %cond3A_58 = arith.cmpi ne, %convert_element_type3A_56, %cond3A_57 : i32
      scf.if %cond3A_58 {
        %dma_wait3A_74 = arith.constant 0 : i32
        %dma_wait3A_75 = tpu.memref_slice %arg4[%dma_wait3A_74] : memref<134217728xf32, #tpu.memory_space<hbm>> -> memref<16384xf32, #tpu.memory_space<hbm>>
        %dma_wait3A_76 = arith.constant 0 : i32
        %dma_wait3A_77 = tpu.memref_slice %arg4[%dma_wait3A_76] : memref<134217728xf32, #tpu.memory_space<hbm>> -> memref<16384xf32, #tpu.memory_space<hbm>>
        tpu.wait_dma2 semaphore(%arg13 : memref<!tpu.dma_semaphore, #tpu.memory_space<semaphore_mem>>) src(%arg9 : memref<16384xf32, #tpu.memory_space<vmem>>) dst(%dma_wait3A_77 : memref<16384xf32, #tpu.memory_space<hbm>>)
      } else {
      }
      %parallel_loop3A_59 = arith.constant 0 : i32
      %parallel_loop3A_60 = arith.constant 256 : i32
      %parallel_loop3A_61 = arith.constant 1 : i32
      scf.for %parallel_loop3A_74 = %parallel_loop3A_59 to %parallel_loop3A_60 step %parallel_loop3A_61  : i32 {
        %parallel_loop3A_75 = arith.constant 16 : i32
        %parallel_loop3A_76 = arith.muli %parallel_loop3A_74, %parallel_loop3A_75 : i32
        %parallel_loop3A_77 = arith.index_cast %parallel_loop3A_76 : i32 to index
        %parallel_loop3A_78 = tpu.vector_load %arg5[%parallel_loop3A_77] {strides = array<i32>} : memref<4096xi32, #tpu.memory_space<vmem>>, vector<16xi32>,
        %parallel_loop3A_79 = arith.constant 0 : i32
        %parallel_loop3A_80 = vector.broadcast %parallel_loop3A_79 : i32 to vector<16xi32>
        %parallel_loop3A_81 = arith.addi %parallel_loop3A_78, %parallel_loop3A_80 : vector<16xi32>
        %parallel_loop3A_82 = tpu.vector_load_idx %arg7[%parallel_loop3A_81] : memref<16384xf32, #tpu.memory_space<vmem>>[vector<16xi32>], vector<16xf32>,
        %parallel_loop3A_83 = arith.constant 16 : i32
        %parallel_loop3A_84 = arith.muli %parallel_loop3A_74, %parallel_loop3A_83 : i32
        %parallel_loop3A_85 = arith.constant 0 : i32
        %parallel_loop3A_86 = arith.addi %parallel_loop3A_85, %parallel_loop3A_84 : i32
        %parallel_loop3A_87 = arith.index_cast %parallel_loop3A_86 : i32 to index
        %parallel_loop3A_88 = tpu.vector_load %arg9[%parallel_loop3A_87] {strides = array<i32>} : memref<16384xf32, #tpu.memory_space<vmem>>, vector<16xf32>,
        tpu.vector_store %arg9[%parallel_loop3A_87], %parallel_loop3A_82 {strides = array<i32>} : memref<16384xf32, #tpu.memory_space<vmem>>, vector<16xf32>,
        %parallel_loop3A_89 = arith.constant 4096 : i32
        %parallel_loop3A_90 = vector.broadcast %parallel_loop3A_89 : i32 to vector<16xi32>
        %parallel_loop3A_91 = arith.addi %parallel_loop3A_78, %parallel_loop3A_90 : vector<16xi32>
        %parallel_loop3A_92 = tpu.vector_load_idx %arg7[%parallel_loop3A_91] : memref<16384xf32, #tpu.memory_space<vmem>>[vector<16xi32>], vector<16xf32>,
        %parallel_loop3A_93 = arith.constant 16 : i32
        %parallel_loop3A_94 = arith.muli %parallel_loop3A_74, %parallel_loop3A_93 : i32
        %parallel_loop3A_95 = arith.constant 4096 : i32
        %parallel_loop3A_96 = arith.addi %parallel_loop3A_95, %parallel_loop3A_94 : i32
        %parallel_loop3A_97 = arith.index_cast %parallel_loop3A_96 : i32 to index
        %parallel_loop3A_98 = tpu.vector_load %arg9[%parallel_loop3A_97] {strides = array<i32>} : memref<16384xf32, #tpu.memory_space<vmem>>, vector<16xf32>,
        tpu.vector_store %arg9[%parallel_loop3A_97], %parallel_loop3A_92 {strides = array<i32>} : memref<16384xf32, #tpu.memory_space<vmem>>, vector<16xf32>,
        %parallel_loop3A_99 = arith.constant 8192 : i32
        %parallel_loop3A_100 = vector.broadcast %parallel_loop3A_99 : i32 to vector<16xi32>
        %parallel_loop3A_101 = arith.addi %parallel_loop3A_78, %parallel_loop3A_100 : vector<16xi32>
        %parallel_loop3A_102 = tpu.vector_load_idx %arg7[%parallel_loop3A_101] : memref<16384xf32, #tpu.memory_space<vmem>>[vector<16xi32>], vector<16xf32>,
        %parallel_loop3A_103 = arith.constant 16 : i32
        %parallel_loop3A_104 = arith.muli %parallel_loop3A_74, %parallel_loop3A_103 : i32
        %parallel_loop3A_105 = arith.constant 8192 : i32
        %parallel_loop3A_106 = arith.addi %parallel_loop3A_105, %parallel_loop3A_104 : i32
        %parallel_loop3A_107 = arith.index_cast %parallel_loop3A_106 : i32 to index
        %parallel_loop3A_108 = tpu.vector_load %arg9[%parallel_loop3A_107] {strides = array<i32>} : memref<16384xf32, #tpu.memory_space<vmem>>, vector<16xf32>,
        tpu.vector_store %arg9[%parallel_loop3A_107], %parallel_loop3A_102 {strides = array<i32>} : memref<16384xf32, #tpu.memory_space<vmem>>, vector<16xf32>,
        %parallel_loop3A_109 = arith.constant 12288 : i32
        %parallel_loop3A_110 = vector.broadcast %parallel_loop3A_109 : i32 to vector<16xi32>
        %parallel_loop3A_111 = arith.addi %parallel_loop3A_78, %parallel_loop3A_110 : vector<16xi32>
        %parallel_loop3A_112 = tpu.vector_load_idx %arg7[%parallel_loop3A_111] : memref<16384xf32, #tpu.memory_space<vmem>>[vector<16xi32>], vector<16xf32>,
        %parallel_loop3A_113 = arith.constant 16 : i32
        %parallel_loop3A_114 = arith.muli %parallel_loop3A_74, %parallel_loop3A_113 : i32
        %parallel_loop3A_115 = arith.constant 12288 : i32
        %parallel_loop3A_116 = arith.addi %parallel_loop3A_115, %parallel_loop3A_114 : i32
        %parallel_loop3A_117 = arith.index_cast %parallel_loop3A_116 : i32 to index
        %parallel_loop3A_118 = tpu.vector_load %arg9[%parallel_loop3A_117] {strides = array<i32>} : memref<16384xf32, #tpu.memory_space<vmem>>, vector<16xf32>,
        tpu.vector_store %arg9[%parallel_loop3A_117], %parallel_loop3A_112 {strides = array<i32>} : memref<16384xf32, #tpu.memory_space<vmem>>, vector<16xf32>,
      } {sc.loop_unroll_factor = 4 : i64, sc.parallel_access}
      %mul3A_62 = arith.constant 16384 : i32
      %mul3A_63 = arith.muli %add3A_49, %mul3A_62 : i32
      %add3A_64 = arith.addi %mul3A_2, %mul3A_63 : i32
      %dma_start3A_65 = tpu.memref_slice %arg4[%add3A_64] : memref<134217728xf32, #tpu.memory_space<hbm>> -> memref<16384xf32, #tpu.memory_space<hbm>>
      %dma_start3A_66 = tpu.memref_slice %arg4[%add3A_64] : memref<134217728xf32, #tpu.memory_space<hbm>> -> memref<16384xf32, #tpu.memory_space<hbm>>
      tpu.enqueue_dma source(%arg9 : memref<16384xf32, #tpu.memory_space<vmem>>) target(%dma_start3A_66 : memref<16384xf32, #tpu.memory_space<hbm>>) target_semaphore(%arg13 : memref<!tpu.dma_semaphore, #tpu.memory_space<semaphore_mem>>)
      %add3A_67 = arith.constant 2 : i32
      %add3A_68 = arith.addi %add3A_49, %add3A_67 : i32
      %lt3A_69 = arith.constant 256 : i32
      %lt3A_70 = arith.cmpi slt, %add3A_68, %lt3A_69 : i32
      %convert_element_type3A_71 = arith.extui %lt3A_70 : i1 to i32
      %cond3A_72 = arith.constant 0 : i32
      %cond3A_73 = arith.cmpi ne, %convert_element_type3A_71, %cond3A_72 : i32
      scf.if %cond3A_73 {
        %add3A_74 = arith.constant 2 : i32
        %add3A_75 = arith.addi %add3A_49, %add3A_74 : i32
        %mul3A_76 = arith.constant 16384 : i32
        %mul3A_77 = arith.muli %add3A_75, %mul3A_76 : i32
        %add3A_78 = arith.addi %mul3A_2, %mul3A_77 : i32
        %dma_start3A_79 = tpu.memref_slice %arg2[%add3A_78] : memref<134217728xf32, #tpu.memory_space<hbm>> -> memref<16384xf32, #tpu.memory_space<hbm>>
        %dma_start3A_80 = tpu.memref_slice %arg2[%add3A_78] : memref<134217728xf32, #tpu.memory_space<hbm>> -> memref<16384xf32, #tpu.memory_space<hbm>>
        tpu.enqueue_dma source(%dma_start3A_80 : memref<16384xf32, #tpu.memory_space<hbm>>) target(%arg7 : memref<16384xf32, #tpu.memory_space<vmem>>) target_semaphore(%arg11 : memref<!tpu.dma_semaphore, #tpu.memory_space<semaphore_mem>>)
      } else {
      }
    }
    %scan3A_14 = arith.constant 128 : i32
    %dma_wait3A = arith.constant 0 : i32
    %dma_wait3A_15 = tpu.memref_slice %arg4[%dma_wait3A] : memref<134217728xf32, #tpu.memory_space<hbm>> -> memref<16384xf32, #tpu.memory_space<hbm>>
    %dma_wait3A_16 = arith.constant 0 : i32
    %dma_wait3A_17 = tpu.memref_slice %arg4[%dma_wait3A_16] : memref<134217728xf32, #tpu.memory_space<hbm>> -> memref<16384xf32, #tpu.memory_space<hbm>>
    tpu.wait_dma2 semaphore(%arg12 : memref<!tpu.dma_semaphore, #tpu.memory_space<semaphore_mem>>) src(%arg8 : memref<16384xf32, #tpu.memory_space<vmem>>) dst(%dma_wait3A_17 : memref<16384xf32, #tpu.memory_space<hbm>>)
    %dma_wait3A_18 = arith.constant 0 : i32
    %dma_wait3A_19 = tpu.memref_slice %arg4[%dma_wait3A_18] : memref<134217728xf32, #tpu.memory_space<hbm>> -> memref<16384xf32, #tpu.memory_space<hbm>>
    %dma_wait3A_20 = arith.constant 0 : i32
    %dma_wait3A_21 = tpu.memref_slice %arg4[%dma_wait3A_20] : memref<134217728xf32, #tpu.memory_space<hbm>> -> memref<16384xf32, #tpu.memory_space<hbm>>
    tpu.wait_dma2 semaphore(%arg13 : memref<!tpu.dma_semaphore, #tpu.memory_space<semaphore_mem>>) src(%arg9 : memref<16384xf32, #tpu.memory_space<vmem>>) dst(%dma_wait3A_21 : memref<16384xf32, #tpu.memory_space<hbm>>)
    return
  }
}

</mosaic_0001>

<sc_bundles>
// kernel: kernel.3.cloned.1.call-start
scs
__scs_entry_jumppad:
0x0: {  	(pc) =	sbr.rel $0x88, $3  }
0x1: {  	(tag) =	ssettag $0x0;
	lr =	simm.s32 $0x1  }
0x2: {  	[smem:$0x3F9F] =	sst lr;
	_ =	strace $0xD0000000  }
0x3: {  	_ = 	snop  }
0x4: {  	_ = 	snop  }
0x5: {  	_ = 	snop  }
0x6: {  	_ = 	snop  }
0x7: {  	_ = 	snop  }
__scs_overlays_trampoline_lowered:
0x8: {  	[smem:$0x3FAE] =	sst s0  }
0x9: {  	[smem:$0x3FAF] =	sst s1  }
0xa: {  	[smem:$0x3FB0] =	sst s2  }
0xb: {  	[smem:$0x3FB1] =	sst s3  }
0xc: {  	[smem:$0x3FB2] =	sst s4  }
0xd: {  	[smem:$0x3FB3] =	sst s5  }
0xe: {  	[smem:$0x3FB4] =	sst s6  }
0xf: {  	[smem:$0x3FB5] =	sst s7  }
0x10: {  	[smem:$0x3FB6] =	sst s8  }
0x11: {  	[smem:$0x3FB7] =	sst s9;
	s0 =	simm.s32 @!p0 $0x0  }
0x12: {  	s1 =	sld [smem:$0x3F9D];
	s0 =	simm.s32 @p0 $0x1  }
0x13: {  	[smem:$0x3FB8] =	sst s0;
	s0 =	simm.s32 @!p1 $0x0  }
0x14: {  	s2 =	sld [smem:$0x3F9C];
	s0 =	simm.s32 @p1 $0x1  }
0x15: {  	[smem:$0x3FB9] =	sst s0;
	s0 =	simm.s32 @!p2 $0x0  }
0x16: {  	s3 =	sld [smem:$0x3FDB];
	s0 =	simm.s32 @p2 $0x1  }
0x17: {  	s4 =	simm.s32 $0x1BF5;
	[smem:$0x3FBB] =	sst s0  }
0x18: {  	s0 =	sld [smem:$0x3F9E];
	_ =	swait.ge [sflag:s4], $0x0  }
0x19: {  	s7 =	sld [smem:$0x3F9F]  }
0x1a: {  	s8 =	sadd.s32 $0xFFFFE003, lr  }
0x1b: {  	s9 =	sadd.s32 $0xFFFFFEF7, lr;
	s5 =	simm.s32 $0xFFFFFFFF;
	p2 =	slt.u32 s8, $0xFFFFF086  }
0x1c: {  	p1 =	slt.u32 s9, $0xF7A;
	s5 =	simm.s32 @!p2 $0x0  }
0x1d: {  	s5 =	simm.s32 @p1 $0x1;
	p0 =	seq.s32 s7, s2  }
0x1e: {  	s7 =	smul.u32 @!p0 $0xF7A, s2;
	p2 =	seq.s32 @!p0 s5, $0x0  }
0x1f: {  	s9 =	smul.u32 $0xF7A, s1;
	s8 =	simm.s32 @!p0 $0x1BF5;
	p2 =	por !p2, p0  }
0x20: {  	[sflag:s8] =	ssyncset.s32 @!p0 $0xFFFFF086;
	s6 =	sadd.s32 @!p0 s3, s7;
	s7 =	simm.s32 @!p0 $0x108  }
0x21: {  	s3 =	sadd.s32 s3, s9;
	s6 =	sadd.s32 @!p0 $0x88, s6;
	s7 =	simm.s32 @p2 $0x1082  }
0x22: {  	[simem:s7], [sflag:s8] =	dma.local @!p0 [hbm:s6], $0xF7A  }
0x23: {  	s9 =	sor.u32 $0xD0000000, s2;
	s6 =	simm.s32 $0x108;
	_ =	swait.ge @!p0 [sflag:s8], $0x0  }
0x24: {  	s3 =	sadd.s32 $0x88, s3;
	s6 =	simm.s32 @!p1 $0x1082;
	[sflag:s4] =	ssyncset.s32 $0xFFFFF086  }
0x25: {  	[simem:s6], [sflag:s4] =	dma.local [hbm:s3], $0xF7A  }
0x26: {  	[smem:$0x3F9F] =	sst s1;
	(tag) =	ssettag s2;
	_ =	strace s9  }
0x27: {  	s1 =	sld [smem:$0x3FAF]  }
0x28: {  	s2 =	sld [smem:$0x3FB0]  }
0x29: {  	s4 =	sld [smem:$0x3FB2]  }
0x2a: {  	p0 =	seq.s32 s5, $0x0;
	s5 =	sld [smem:$0x3FB3]  }
0x2b: {  	s6 =	sld [smem:$0x3FB4]  }
0x2c: {  	s7 =	sld [smem:$0x3FB5]  }
0x2d: {  	s3 =	simm.s32 $0x108;
	s8 =	sld [smem:$0x3FB6]  }
0x2e: {  	s3 =	simm.s32 @!p0 $0x1082;
	s9 =	sld [smem:$0x3FB7]  }
0x2f: {  	lr =	sadd.s32 s0, s3;
	s0 =	sld [smem:$0x3FAE]  }
0x30: {  	s3 =	sld [smem:$0x3FB1]  }
0x31: {  	[smem:$0x3FBA] =	sst s10  }
0x32: {  	s10 =	sld [smem:$0x3FB8];
	_ =	sdelay $0x3  }
0x33: {  	p0 =	seq.s32 s10, $0x1;
	s10 =	sld [smem:$0x3FBA];
	_ =	sdelay $0x3  }
0x34: {  	[smem:$0x3FBA] =	sst s10  }
0x35: {  	s10 =	sld [smem:$0x3FB9];
	_ =	sdelay $0x3  }
0x36: {  	p1 =	seq.s32 s10, $0x1;
	s10 =	sld [smem:$0x3FBA];
	_ =	sdelay $0x3  }
0x37: {  	[smem:$0x3FBA] =	sst s10  }
0x38: {  	s10 =	sld [smem:$0x3FBB]  }
0x39: {  	_ = 	snop;
	(pc) =	sbr.ind lr, $3  }
0x3a: {  	_ = 	snop  }
0x3b: {  	_ = 	snop  }
0x3c: {  	p2 =	seq.s32 s10, $0x1;
	s10 =	sld [smem:$0x3FBA]  }
0x3d: {  	_ =	shalt  }
0x3e: {  	_ =	shalt  }
0x3f: {  	_ =	shalt  }
0x40: {  	_ =	shalt  }
0x41: {  	_ =	shalt  }
0x42: {  	_ =	shalt  }
0x43: {  	_ =	shalt  }
0x44: {  	_ =	shalt  }
0x45: {  	_ =	shalt  }
0x46: {  	_ =	shalt  }
0x47: {  	_ =	shalt  }
0x48: {  	_ =	shalt  }
0x49: {  	_ =	shalt  }
0x4a: {  	_ =	shalt  }
0x4b: {  	_ =	shalt  }
0x4c: {  	_ =	shalt  }
0x4d: {  	_ =	shalt  }
0x4e: {  	_ =	shalt  }
0x4f: {  	_ =	shalt  }
0x50: {  	_ =	shalt  }
0x51: {  	_ =	shalt  }
0x52: {  	_ =	shalt  }
0x53: {  	_ =	shalt  }
0x54: {  	_ =	shalt  }
0x55: {  	_ =	shalt  }
0x56: {  	_ =	shalt  }
0x57: {  	_ =	shalt  }
0x58: {  	_ =	shalt  }
0x59: {  	_ =	shalt  }
0x5a: {  	_ =	shalt  }
0x5b: {  	_ =	shalt  }
0x5c: {  	_ =	shalt  }
0x5d: {  	_ =	shalt  }
0x5e: {  	_ =	shalt  }
0x5f: {  	_ =	shalt  }
0x60: {  	_ =	shalt  }
0x61: {  	_ =	shalt  }
0x62: {  	_ =	shalt  }
0x63: {  	_ =	shalt  }
0x64: {  	_ =	shalt  }
0x65: {  	_ =	shalt  }
0x66: {  	_ =	shalt  }
0x67: {  	_ =	shalt  }
0x68: {  	_ =	shalt  }
0x69: {  	_ =	shalt  }
0x6a: {  	_ =	shalt  }
0x6b: {  	_ =	shalt  }
0x6c: {  	_ =	shalt  }
0x6d: {  	_ =	shalt  }
0x6e: {  	_ =	shalt  }
0x6f: {  	_ =	shalt  }
0x70: {  	_ =	shalt  }
0x71: {  	_ =	shalt  }
0x72: {  	_ =	shalt  }
0x73: {  	_ =	shalt  }
0x74: {  	_ =	shalt  }
0x75: {  	_ =	shalt  }
0x76: {  	_ =	shalt  }
0x77: {  	_ =	shalt  }
0x78: {  	_ =	shalt  }
0x79: {  	_ =	shalt  }
0x7a: {  	_ =	shalt  }
0x7b: {  	_ =	shalt  }
0x7c: {  	_ =	shalt  }
0x7d: {  	_ =	shalt  }
0x7e: {  	_ =	shalt  }
0x7f: {  	_ =	shalt  }
0x80: {  	_ =	shalt  }
0x81: {  	_ =	shalt  }
0x82: {  	_ =	shalt  }
0x83: {  	_ =	shalt  }
0x84: {  	_ =	shalt  }
0x85: {  	_ =	shalt  }
0x86: {  	_ =	shalt  }
0x87: {  	_ =	shalt  }
.Lfunc_end0:
.L_simem_size_0:
called_computation.1_lowered:
.L_overlay_start_0:
0x88: {  	s2 =	sld [smem:$0x3FD9]  }
0x89: {  	s3 =	sld [smem:$0x3FFE];
	_ =	sdelay $0x1  }
0x8a: {  	s1 =	srdreg.scid  }
0x8b: {  	s0 =	sand.u32 $0x1, s1  }
0x8c: {  	s17 =	sshll.u32 s0, $0xA;
	s2 =	sadd.s32 s3, s2  }
0x8d: {  	s2 =	sadd.s32 s2, s17  }
0x8e: {  	[smem:$0x3FC6] =	sst s2  }
0x8f: {  	_ = 	snop  }
0x90: {  	s2 =	sld [smem:$0x3FC8]  }
0x91: {  	s18 =	sld [smem:$0x3FD0];
	(tm) =	ssettm $0x1  }
0x92: {  	s4 =	sld [smem:$0x3FFB];
	_ =	sdelay $0x3  }
0x93: {  	_ =	strace s4  }
0x94: {  	s4 =	sld [smem:$0x3FFC];
	_ =	sdelay $0x3  }
0x95: {  	_ =	strace s4  }
0x96: {  	s4 =	sld [smem:$0x3FFD];
	_ =	sdelay $0x3  }
0x97: {  	_ =	strace s4  }
0x98: {  	_ =	strace $0x8FFFFFFF  }
0x99: {  	s19 =	sld [smem:$0x3FDB];
	_ =	sdelay $0x1  }
0x9a: {  	s5 =	simm.s32 $_scs_section_size  }
0x9b: {  	s6 =	simm.s32 $_size__tile_overlayer_lowered;
	s7 =	simm.s32 $_tile_overlayer_lowered  }
0x9c: {  	s22 =	simm.s32 $0x1BFF;
	s21 =	sshll.u32 s7, $0x1;
	s4 =	sadd.s32 s5, s19  }
0x9d: {  	s8 =	simm.s32 $0x0;
	s20 =	sshll.u32 s6, $0x1;
	s6 =	sadd.s32 s21, s4  }
0x9e: {  	[timem:s8], [sflag:s22] =	dma.local [hbm:s6], s20  }
0x9f: {  	_ =	swait.ge [sflag:s22], s20  }
0xa0: {  	s5 =	ssub.s32 $0x0, s20;
	[sflag:s22] =	ssyncset.done $0x0  }
0xa1: {  	[sflag:s22] =	ssyncadd.s32 s5;
	_ =	sdelay $0x1  }
0xa2: {  	s23 =	simm.s32 $0x1B8B  }
0xa3: {  	_ =	swait.ge [sflag:s23], $0x1  }
0xa4: {  	[sflag:s23] =	ssyncset.done $0x0  }
0xa5: {  	s25 =	simm.s32 $0x1B8E;
	s24 =	sld [smem:$0x3FFE];
	[sflag:s23] =	ssyncadd.s32 $0xFFFFFFFF  }
0xa6: {  	s26 =	simm.s32 $execute0_lowered;
	[smem:$0x3FD2] =	sst s25  }
0xa7: {  	s6 =	sshll.u32 s26, $0x1;
	_ =	strace $0x80000049;
	[dreg:$0x1] =	wrdreg $0xFFFFFFFF  }
0xa8: {  	s28 =	simm.s32 $_size_execute0_lowered;
	s4 =	sadd.s32 s4, s6;
	[dreg:$0x0] =	wrdreg $0x0  }
0xa9: {  	s6 =	sshll.u32 s28, $0x1;
	[dreg:$0x2] =	wrdreg s4  }
0xaa: {  	[dreg:$0x3] =	wrdreg s6  }
0xab: {  	[dreg:$0x4] =	wrdreg $0xC0  }
0xac: {  	_ =	task [dreg:s8], $0x5FFFF  }
0xad: {  	[dreg:$0x1] =	wrdreg $0xFFFFFFFF  }
0xae: {  	[dreg:$0x0] =	wrdreg $0x60  }
0xaf: {  	[dreg:$0x2] =	wrdreg s18  }
0xb0: {  	[dreg:$0x3] =	wrdreg s2  }
0xb1: {  	[dreg:$0x4] =	wrdreg s24  }
0xb2: {  	[dreg:$0x5] =	wrdreg $0x9  }
0xb3: {  	_ =	task.clear_ibuf [dreg:s8], $0x6FFFF;
	_ =	strace $0x90000049  }
0xb4: {  	s29 =	simm.s32 $0x9;
	_ =	strace $0x8000004B  }
0xb5: {  	_ =	swait.ge [sflag:s29], $0x1  }
0xb6: {  	[sflag:s29] =	ssyncadd.s32 $0xFFFFFFFF  }
0xb7: {  	_ =	strace $0x9000004B  }
0xb8: {  	_ =	sfence  }
0xb9: {  	s30 =	sld [smem:$0x0];
	_ =	sdelay $0x2  }
0xba: {  	s31 =	sshll.u32 s1, $0xD;
	s1 =	sshrl.u32 s1, $0x2  }
0xbb: {  	s3 =	sand.u32 $0x4000, s31;
	s1 =	sadd.s32 s1, s30  }
0xbc: {  	s0 =	sor.u32 s3, s0;
	s1 =	sshll.u32 s1, $0x11  }
0xbd: {  	s0 =	sor.u32 s1, s0  }
0xbe: {  	s0 =	sadd.s32 $0x8F2B, s0  }
0xbf: {  	[sflag:s0] =	ssyncadd.remote.s32 $0x1  }
0xc0: {  	_ =	sfence.sel $0xFFFF  }
0xc1: {  	[dreg:$0x0] =	wrdreg $0xFFFFFFFF;
	(pc) =	sbr.abs _section_cstart, $3  }
0xc2: {  	[dreg:$0x1] =	wrdreg $0xFFFFFFFF  }
0xc3: {  	_ =	task.clear_ibuf [dreg:s8], $0x2FFFF;
	_ =	strace $0x9FFFFFFF  }
0xc4: {  	(tm) =	ssettm $0x7FFFFFFF  }
0xc5: {  	_ =	shalt  }
tec
execute0_lowered:
.L_overlay_start_1:
0x0: {  	(tag) =	ssettag $0x1  }
0x1: {  	s1 =	rddreg [dreg:$0x0]  }
0x2: {  	s3 =	rddreg [dreg:$0x1]  }
0x3: {  	s6 =	rddreg [dreg:$0x2];
	s4 =	srdreg.scid  }
0x4: {  	s0 =	rddreg [dreg:$0x3];
	s2 =	stileid.u32;
	s12 =	simm.s32 $0x5  }
0x5: {  	s13 =	simm.s32 $0x1000;
	s14 =	simm.s32 $0x5000;
	s15 =	simm.s32 $0x1  }
0x6: {  	s16 =	simm.s32 $0x9000;
	s17 =	simm.s32 $0x2;
	s18 =	simm.s32 $0x4  }
0x7: {  	s19 =	simm.s32 $0xD000;
	s20 =	simm.s32 $0x3;
	s21 =	simm.s32 $0x0  }
0x8: {  	s7 =	sand.u32 $0x1, s4;
	s4 =	simm.s32 $0x0;
	s5 =	sshll.u32 s2, $0x17  }
.Ltmp0:
0x9: {  	s6 =	sadd.s32 $0x800, s6;
	s8 =	sshll.u32 s7, $0x16;
	(pc) =	sbr.rel .LBB2_1-.Ltmp0, $4  }
0xa: {  	[smem:$0x7FF] =	sst s4;
	s30 =	ssub.s32 $0x2, s7;
	s5 =	sor.u32 s8, s5  }
0xb: {  	_ =	strace $0x8000004A;
	s9 =	sshrl.u32 s30, $0x1;
	s31 =	sshrl.u32 s5, $0x3  }
0xc: {  	s11 =	ssub.s32 s30, s9;
	s9 =	sor.u32 $0x8000, s5;
	s7 =	sadd.s32 s1, s31  }
0xd: {  	s10 =	sor.u32 $0xC000, s5;
	s11 =	smax.u32 s11, $0x1;
	s8 =	sadd.s32 $0x800, s7  }
.LBB2_12:
0xe: {  	s21 =	sadd.s32 $0x1, s21  }
0xf: {  	_ =	swait.ge [sflag:s20], $0x4000;
	p0 =	sne.s32 s21, s11  }
.Ltmp1:
0x10: {  	[sflag:s20] =	ssyncset.done $0x0;
	(pc) =	sbr.rel @!p0 .LBB2_13-.Ltmp1, $4  }
0x11: {  	[sflag:s20] =	ssyncadd.s32 $0xFFFFC000  }
0x12: {  	_ =	swait.ge [sflag:s18], $0x4000  }
0x13: {  	[sflag:s18] =	ssyncset.done $0x0  }
0x14: {  	[sflag:s18] =	ssyncadd.s32 $0xFFFFC000  }
.LBB2_1:
0x15: {  	[tilespmem:s4], [sflag:$0x5] =	stream.linear.gather [hbm4b:s3+s4], $0x1000, $0x38;
	[tilespmem:$0x11000] =	vst v63  }
0x16: {  	_ =	swait.ge [sflag:s12], $0x1000  }
0x17: {  	[sflag:s12] =	ssyncset.done $0x0  }
0x18: {  	[sflag:s12] =	ssyncadd.s32 $0xFFFFF000  }
0x19: {  	[tilespmem:s13], [sflag:$0x1] =	stream.linear.gather [hbm4b:s7+s4], $0x4000, $0x38;
	[tilespmem:$0x11000] =	vst v63  }
0x1a: {  	s22 =	simm.s32 $0x0  }
0x1b: {  	[tilespmem:s14], [sflag:$0x2] =	stream.linear.gather [hbm4b:s8+s4], $0x4000, $0x38;
	[tilespmem:$0x11000] =	vst v63  }
.LBB2_2:
0x1c: {  	_ =	swait.ge [sflag:s15], $0x4000  }
0x1d: {  	p0 =	seq.s32 s22, $0x0;
	[sflag:s15] =	ssyncset.done $0x0  }
0x1e: {  	s23 =	simm.s32 @!p0 $0x3;
	[sflag:s15] =	ssyncadd.s32 $0xFFFFC000  }
0x1f: {  	_ =	swait.ge @!p0 [sflag:s23], $0x4000  }
0x20: {  	[sflag:s23] =	ssyncset.done @!p0 $0x0  }
0x21: {  	s30 =	simm.s32 $0x20;
	[sflag:s23] =	ssyncadd.s32 @!p0 $0xFFFFC000  }
0x22: {  	v1 =	vld [tilespmem:s30+$0x10]  }
0x23: {  	v2 =	vld [tilespmem:s30+$0xFFFFFFF0]  }
0x24: {  	v3 =	vld [tilespmem:s30+$0x0]  }
0x25: {  	v4 =	vld [tilespmem:s30+$0xFFFFFFE0];
	_ =	sdelay $0x4  }
0x26: {  	v0 =	vld.idx.msk [tilespmem:v1+s13+$0x0], $0xffff  }
0x27: {  	v6 =	vadd.s32 $0x1000, v1;
	v5 =	vld.idx.msk [tilespmem:v2+s13+$0x0], $0xffff  }
0x28: {  	v7 =	vadd.s32 $0x1000, v2;
	v8 =	vld.idx.msk [tilespmem:v3+s13+$0x0], $0xffff  }
0x29: {  	s31 =	simm.s32 $0x60;
	v9 =	vadd.s32 $0x1000, v3;
	v10 =	vld.idx.msk [tilespmem:v4+s13+$0x0], $0xffff  }
0x2a: {  	s24 =	simm.s32 $0xB010;
	v13 =	vld [tilespmem:s31+$0x0];
	v11 =	vadd.s32 $0x1000, v4  }
0x2b: {  	v12 =	vld [tilespmem:s31+$0xFFFFFFF0];
	[tilespmem:s24+$0xFFFFE020] =	vst v0  }
0x2c: {  	[tilespmem:s24+$0xFFFFE000] =	vst v5;
	v6 =	vld.idx.msk [tilespmem:v6+s13+$0x0], $0xffff  }
0x2d: {  	[tilespmem:s24+$0xFFFFE010] =	vst v8;
	v5 =	vld.idx.msk [tilespmem:v7+s13+$0x0], $0xffff  }
0x2e: {  	[tilespmem:s24+$0xFFFFDFF0] =	vst v10;
	v8 =	vld.idx.msk [tilespmem:v9+s13+$0x0], $0xffff  }
0x2f: {  	v7 =	vadd.s32 $0x2000, v1;
	v9 =	vld.idx.msk [tilespmem:v11+s13+$0x0], $0xffff  }
0x30: {  	v11 =	vadd.s32 $0x2000, v4  }
0x31: {  	v0 =	vld [tilespmem:s31+$0x10]  }
0x32: {  	s25 =	simm.s32 $0x0;
	v15 =	vld.idx.msk [tilespmem:v13+s13+$0x0], $0xffff;
	[tilespmem:s24+$0xFFFFF020] =	vst v6  }
0x33: {  	s30 =	sand.u32 $0xFC0, s25;
	v10 =	vadd.s32 $0x2000, v2;
	[tilespmem:s24+$0xFFFFF000] =	vst v5;
	v5 =	vld [tilespmem:s31+$0xFFFFFFE0]  }
0x34: {  	[tilespmem:s30+$0xA000] =	vst v9;
	v7 =	vld.idx.msk [tilespmem:v7+s13+$0x0], $0xffff  }
0x35: {  	v6 =	vadd.s32 $0x2000, v3;
	[tilespmem:s24+$0xFFFFF010] =	vst v8;
	v8 =	vld.idx.msk [tilespmem:v11+s13+$0x0], $0xffff  }
0x36: {  	v18 =	vadd.s32 $0x1000, v13;
	v11 =	vld.idx.msk [tilespmem:v12+s13+$0x0], $0xffff  }
0x37: {  	v1 =	vadd.s32 $0x3000, v1  }
0x38: {  	s26 =	simm.s32 $0xB050;
	v9 =	vld.idx.msk [tilespmem:v10+s13+$0x0], $0xffff  }
0x39: {  	[tilespmem:s26+$0xFFFFE010] =	vst v15;
	v4 =	vadd.s32 $0x3000, v4;
	v10 =	vld.idx.msk [tilespmem:v0+s13+$0x0], $0xffff  }
0x3a: {  	v2 =	vadd.s32 $0x3000, v2;
	v6 =	vld.idx.msk [tilespmem:v6+s13+$0x0], $0xffff;
	[tilespmem:s24+$0x20] =	vst v7  }
0x3b: {  	v14 =	vadd.s32 $0x1000, v0;
	[tilespmem:s26+$0xFFFFE000] =	vst v11;
	v11 =	vld.idx.msk [tilespmem:v18+s13+$0x0], $0xffff  }
0x3c: {  	v3 =	vadd.s32 $0x3000, v3;
	v1 =	vld.idx.msk [tilespmem:v1+s13+$0x0], $0xffff  }
0x3d: {  	v16 =	vadd.s32 $0x1000, v12;
	[tilespmem:s30+$0xB000] =	vst v8;
	v17 =	vld.idx.msk [tilespmem:v5+s13+$0x0], $0xffff  }
0x3e: {  	v20 =	vadd.s32 $0x1000, v5;
	[tilespmem:s24+$0x0] =	vst v9;
	v19 =	vld.idx.msk [tilespmem:v4+s13+$0x0], $0xffff  }
0x3f: {  	[tilespmem:s26+$0xFFFFE020] =	vst v10;
	v7 =	vld.idx.msk [tilespmem:v2+s13+$0x0], $0xffff  }
0x40: {  	v9 =	vld.idx.msk [tilespmem:v14+s13+$0x0], $0xffff;
	[tilespmem:s24+$0x10] =	vst v6  }
0x41: {  	v4 =	vadd.s32 $0x2000, v13;
	v2 =	vadd.s32 $0x3000, v13;
	v13 =	vadd.s32 $0x2000, v0;
	v8 =	vld.idx.msk [tilespmem:v3+s13+$0x0], $0xffff;
	[tilespmem:s24+$0x1020] =	vst v1  }
0x42: {  	v10 =	vld.idx.msk [tilespmem:v16+s13+$0x0], $0xffff;
	v6 =	vadd.s32 $0x2000, v5;
	[tilespmem:s26+$0xFFFFDFF0] =	vst v17  }
0x43: {  	s28 =	simm.s32 $0x4;
	s29 =	simm.s32 $0xA0;
	s23 =	sshll.u32 s22, $0xF;
	v5 =	vadd.s32 $0x3000, v5;
	v3 =	vadd.s32 $0x2000, v12;
	v1 =	vadd.s32 $0x3000, v12;
	[tilespmem:s30+$0xC000] =	vst v19;
	v12 =	vld.idx.msk [tilespmem:v20+s13+$0x0], $0xffff  }
.LBB2_3:
0x44: {  	v14 =	vld [tilespmem:s29+$0x10];
	s28 =	sadd.s32 $0x4, s28;
	[tilespmem:s24+$0x1000] =	vst v7  }
0x45: {  	v7 =	vld [tilespmem:s29+$0xFFFFFFF0];
	p1 =	slt.u32 s28, $0xFC;
	[tilespmem:s26+$0xFFFFF020] =	vst v9  }
0x46: {  	v9 =	vld.idx.msk [tilespmem:v13+s13+$0x0], $0xffff;
	[tilespmem:s24+$0x1010] =	vst v8;
	s24 =	smov.u32 s26  }
0x47: {  	s25 =	sadd.s32 $0x40, s25;
	v8 =	vld [tilespmem:s29+$0x0];
	[tilespmem:s26+$0xFFFFF000] =	vst v10  }
0x48: {  	s30 =	sand.u32 $0xFC0, s25;
	v10 =	vld [tilespmem:s29+$0xFFFFFFE0];
	[tilespmem:s26+$0xFFFFF010] =	vst v11;
	v11 =	vadd.s32 $0x3000, v0  }
0x49: {  	[tilespmem:s30+$0xA000] =	vst v12;
	v12 =	vld.idx.msk [tilespmem:v3+s13+$0x0], $0xffff;
	v0 =	vmov v14  }
0x4a: {  	v13 =	vadd.s32 $0x1000, v7;
	v3 =	vadd.s32 $0x2000, v7;
	v15 =	vadd.s32 $0x3000, v7;
	v16 =	vld.idx.msk [tilespmem:v6+s13+$0x0], $0xffff  }
0x4b: {  	v17 =	vld.idx.msk [tilespmem:v4+s13+$0x0], $0xffff  }
0x4c: {  	v18 =	vadd.s32 $0x1000, v8;
	v4 =	vadd.s32 $0x2000, v8;
	v19 =	vadd.s32 $0x3000, v8;
	v14 =	vld.idx.msk [tilespmem:v14+s13+$0x0], $0xffff;
	[tilespmem:s26+$0x20] =	vst v9  }
0x4d: {  	v20 =	vadd.s32 $0x1000, v10;
	v6 =	vadd.s32 $0x2000, v10;
	v9 =	vadd.s32 $0x3000, v10;
	v11 =	vld.idx.msk [tilespmem:v11+s13+$0x0], $0xffff  }
0x4e: {  	v22 =	vadd.s32 $0x1000, v0;
	v21 =	vld.idx.msk [tilespmem:v7+s13+$0x0], $0xffff  }
0x4f: {  	v23 =	vld.idx.msk [tilespmem:v8+s13+$0x0], $0xffff;
	[tilespmem:s26+$0x0] =	vst v12  }
0x50: {  	v12 =	vld.idx.msk [tilespmem:v10+s13+$0x0], $0xffff;
	[tilespmem:s30+$0xB000] =	vst v16  }
0x51: {  	s26 =	sadd.s32 $0x40, s26;
	v16 =	vld.idx.msk [tilespmem:v5+s13+$0x0], $0xffff;
	[tilespmem:s24+$0x10] =	vst v17;
	v5 =	vmov v9  }
0x52: {  	[tilespmem:s26+$0xFFFFE020] =	vst v14;
	v7 =	vld.idx.msk [tilespmem:v1+s13+$0x0], $0xffff;
	v1 =	vmov v15  }
.Ltmp2:
0x53: {  	v9 =	vld.idx.msk [tilespmem:v22+s13+$0x0], $0xffff;
	[tilespmem:s24+$0x1020] =	vst v11;
	(pc) =	sbr.rel @p1 .LBB2_3-.Ltmp2, $4  }
0x54: {  	[tilespmem:s26+$0xFFFFE000] =	vst v21;
	v8 =	vld.idx.msk [tilespmem:v2+s13+$0x0], $0xffff;
	v2 =	vmov v19  }
0x55: {  	v10 =	vld.idx.msk [tilespmem:v13+s13+$0x0], $0xffff;
	[tilespmem:s26+$0xFFFFE010] =	vst v23;
	v13 =	vadd.s32 $0x2000, v0  }
0x56: {  	[tilespmem:s26+$0xFFFFDFF0] =	vst v12;
	v11 =	vld.idx.msk [tilespmem:v18+s13+$0x0], $0xffff  }
0x57: {  	s29 =	sadd.s32 $0x40, s29;
	v12 =	vld.idx.msk [tilespmem:v20+s13+$0x0], $0xffff;
	[tilespmem:s30+$0xC000] =	vst v16  }
0x58: {  	_ =	sdelay $0x2  }
0x59: {  	[tilespmem:s26+$0xFFFFF020] =	vst v9  }
0x5a: {  	s25 =	sadd.s32 $0x40, s25;
	v9 =	vld.idx.msk [tilespmem:v13+s13+$0x0], $0xffff;
	[tilespmem:s26+$0xFFFFF000] =	vst v10  }
0x5b: {  	v0 =	vadd.s32 $0x3000, v0;
	s25 =	sand.u32 $0xFC0, s25;
	[tilespmem:s26+$0xFFFFF010] =	vst v11;
	v3 =	vld.idx.msk [tilespmem:v3+s13+$0x0], $0xffff  }
0x5c: {  	[tilespmem:s25+$0xA000] =	vst v12;
	v4 =	vld.idx.msk [tilespmem:v4+s13+$0x0], $0xffff  }
0x5d: {  	v6 =	vld.idx.msk [tilespmem:v6+s13+$0x0], $0xffff;
	_ =	sdelay $0x1  }
0x5e: {  	[tilespmem:s26+$0x20] =	vst v9  }
0x5f: {  	v0 =	vld.idx.msk [tilespmem:v0+s13+$0x0], $0xffff;
	[tilespmem:s26+$0x0] =	vst v3  }
0x60: {  	[tilespmem:s26+$0x10] =	vst v4;
	v1 =	vld.idx.msk [tilespmem:v1+s13+$0x0], $0xffff  }
0x61: {  	[tilespmem:s25+$0xB000] =	vst v6;
	v2 =	vld.idx.msk [tilespmem:v2+s13+$0x0], $0xffff  }
0x62: {  	[tilespmem:s24+$0x1000] =	vst v7;
	v63 =	vld.idx.msk [tilespmem:v5+s13+$0x0], $0xffff  }
0x63: {  	p1 =	sne.s32 s22, $0x7F;
	[tilespmem:s24+$0x1010] =	vst v8  }
.Ltmp3:
0x64: {  	[tilespmem:s26+$0x1020] =	vst v0;
	(pc) =	sbr.rel @p1 .LBB2_6-.Ltmp3, $4  }
0x65: {  	s30 =	sor.u32 s5, s23;
	[tilespmem:s26+$0x1000] =	vst v1  }
0x66: {  	s24 =	sshrl.u32 s30, $0x3;
	[tilespmem:s26+$0x1010] =	vst v2  }
0x67: {  	s31 =	sadd.s32 s6, s24;
	[tilespmem:s25+$0xC000] =	vst v63  }
0x68: {  	[hbm4b:s31+s4] =	stream.linear.scatter [tilespmem:s16], [sflag:$0x3], $0x4000, $0x38;
	[tilespmem:$0x11000] =	vst v63  }
.Ltmp4:
0x69: {  	(pc) =	sbr.rel .LBB2_7-.Ltmp4, $4  }
0x6a: {  	_ = 	snop  }
0x6b: {  	_ =	swait.ge [sflag:s17], $0x4000  }
0x6c: {  	[sflag:s17] =	ssyncset.done $0x0  }
0x6d: {  	[sflag:s17] =	ssyncadd.s32 $0xFFFFC000  }
.LBB2_6:
0x6e: {  	s25 =	sadd.s32 s23, s9  }
0x6f: {  	s25 =	sshrl.u32 s25, $0x3  }
.Ltmp5:
0x70: {  	s25 =	sadd.s32 s1, s25;
	(pc) =	sbr.rel @p0 .LBB2_8-.Ltmp5, $4  }
0x71: {  	[tilespmem:s13], [sflag:$0x1] =	stream.linear.gather [hbm4b:s25+s4], $0x4000, $0x38;
	[tilespmem:$0x11000] =	vst v63  }
0x72: {  	_ =	swait.ge [sflag:s17], $0x4000  }
0x73: {  	[sflag:s17] =	ssyncset.done $0x0  }
0x74: {  	[sflag:s17] =	ssyncadd.s32 $0xFFFFC000  }
.LBB2_7:
0x75: {  	_ =	swait.ge [sflag:s18], $0x4000  }
0x76: {  	[sflag:s18] =	ssyncset.done $0x0  }
0x77: {  	[sflag:s18] =	ssyncadd.s32 $0xFFFFC000  }
.LBB2_8:
0x78: {  	s25 =	simm.s32 $0x20  }
0x79: {  	v1 =	vld [tilespmem:s25+$0x10]  }
0x7a: {  	v2 =	vld [tilespmem:s25+$0xFFFFFFF0]  }
0x7b: {  	v3 =	vld [tilespmem:s25+$0x0]  }
0x7c: {  	v4 =	vld [tilespmem:s25+$0xFFFFFFE0];
	_ =	sdelay $0x4  }
0x7d: {  	v0 =	vld.idx.msk [tilespmem:v1+s14+$0x0], $0xffff  }
0x7e: {  	v6 =	vadd.s32 $0x1000, v1;
	v5 =	vld.idx.msk [tilespmem:v2+s14+$0x0], $0xffff  }
0x7f: {  	v7 =	vadd.s32 $0x1000, v2;
	v8 =	vld.idx.msk [tilespmem:v3+s14+$0x0], $0xffff  }
0x80: {  	s28 =	simm.s32 $0x60;
	v9 =	vadd.s32 $0x1000, v3;
	v10 =	vld.idx.msk [tilespmem:v4+s14+$0x0], $0xffff  }
0x81: {  	s25 =	simm.s32 $0xF010;
	v13 =	vld [tilespmem:s28+$0x0];
	v11 =	vadd.s32 $0x1000, v4  }
0x82: {  	v12 =	vld [tilespmem:s28+$0xFFFFFFF0];
	[tilespmem:s25+$0xFFFFE020] =	vst v0  }
0x83: {  	[tilespmem:s25+$0xFFFFE000] =	vst v5;
	v6 =	vld.idx.msk [tilespmem:v6+s14+$0x0], $0xffff  }
0x84: {  	[tilespmem:s25+$0xFFFFE010] =	vst v8;
	v5 =	vld.idx.msk [tilespmem:v7+s14+$0x0], $0xffff  }
0x85: {  	[tilespmem:s25+$0xFFFFDFF0] =	vst v10;
	v8 =	vld.idx.msk [tilespmem:v9+s14+$0x0], $0xffff  }
0x86: {  	v7 =	vadd.s32 $0x2000, v1;
	v9 =	vld.idx.msk [tilespmem:v11+s14+$0x0], $0xffff  }
0x87: {  	v11 =	vadd.s32 $0x2000, v4  }
0x88: {  	v0 =	vld [tilespmem:s28+$0x10]  }
0x89: {  	s26 =	simm.s32 $0x0;
	v15 =	vld.idx.msk [tilespmem:v13+s14+$0x0], $0xffff;
	[tilespmem:s25+$0xFFFFF020] =	vst v6  }
0x8a: {  	s31 =	sand.u32 $0xFC0, s26;
	v10 =	vadd.s32 $0x2000, v2;
	[tilespmem:s25+$0xFFFFF000] =	vst v5;
	v5 =	vld [tilespmem:s28+$0xFFFFFFE0]  }
0x8b: {  	[tilespmem:s31+$0xE000] =	vst v9;
	v7 =	vld.idx.msk [tilespmem:v7+s14+$0x0], $0xffff  }
0x8c: {  	v6 =	vadd.s32 $0x2000, v3;
	[tilespmem:s25+$0xFFFFF010] =	vst v8;
	v8 =	vld.idx.msk [tilespmem:v11+s14+$0x0], $0xffff  }
0x8d: {  	v18 =	vadd.s32 $0x1000, v13;
	v11 =	vld.idx.msk [tilespmem:v12+s14+$0x0], $0xffff  }
0x8e: {  	v1 =	vadd.s32 $0x3000, v1  }
0x8f: {  	s28 =	simm.s32 $0xF050;
	v9 =	vld.idx.msk [tilespmem:v10+s14+$0x0], $0xffff  }
0x90: {  	v4 =	vadd.s32 $0x3000, v4;
	[tilespmem:s28+$0xFFFFE010] =	vst v15;
	v10 =	vld.idx.msk [tilespmem:v0+s14+$0x0], $0xffff  }
0x91: {  	v2 =	vadd.s32 $0x3000, v2;
	v6 =	vld.idx.msk [tilespmem:v6+s14+$0x0], $0xffff;
	[tilespmem:s25+$0x20] =	vst v7  }
0x92: {  	v14 =	vadd.s32 $0x1000, v0;
	[tilespmem:s28+$0xFFFFE000] =	vst v11;
	v11 =	vld.idx.msk [tilespmem:v18+s14+$0x0], $0xffff  }
0x93: {  	v3 =	vadd.s32 $0x3000, v3;
	v1 =	vld.idx.msk [tilespmem:v1+s14+$0x0], $0xffff  }
0x94: {  	v16 =	vadd.s32 $0x1000, v12;
	[tilespmem:s31+$0xF000] =	vst v8;
	v17 =	vld.idx.msk [tilespmem:v5+s14+$0x0], $0xffff  }
0x95: {  	v20 =	vadd.s32 $0x1000, v5;
	[tilespmem:s25+$0x0] =	vst v9;
	v19 =	vld.idx.msk [tilespmem:v4+s14+$0x0], $0xffff  }
0x96: {  	[tilespmem:s28+$0xFFFFE020] =	vst v10;
	v7 =	vld.idx.msk [tilespmem:v2+s14+$0x0], $0xffff  }
0x97: {  	v9 =	vld.idx.msk [tilespmem:v14+s14+$0x0], $0xffff;
	[tilespmem:s25+$0x10] =	vst v6  }
0x98: {  	v4 =	vadd.s32 $0x2000, v13;
	v2 =	vadd.s32 $0x3000, v13;
	v13 =	vadd.s32 $0x2000, v0;
	v8 =	vld.idx.msk [tilespmem:v3+s14+$0x0], $0xffff;
	[tilespmem:s25+$0x1020] =	vst v1  }
0x99: {  	v10 =	vld.idx.msk [tilespmem:v16+s14+$0x0], $0xffff;
	v6 =	vadd.s32 $0x2000, v5;
	[tilespmem:s28+$0xFFFFDFF0] =	vst v17  }
0x9a: {  	s29 =	simm.s32 $0x4;
	s30 =	simm.s32 $0xA0;
	v5 =	vadd.s32 $0x3000, v5;
	v3 =	vadd.s32 $0x2000, v12;
	v1 =	vadd.s32 $0x3000, v12;
	[tilespmem:s31+$0x10000] =	vst v19;
	v12 =	vld.idx.msk [tilespmem:v20+s14+$0x0], $0xffff  }
.LBB2_9:
0x9b: {  	v14 =	vld [tilespmem:s30+$0x10];
	s29 =	sadd.s32 $0x4, s29;
	[tilespmem:s25+$0x1000] =	vst v7  }
0x9c: {  	v7 =	vld [tilespmem:s30+$0xFFFFFFF0];
	p0 =	slt.u32 s29, $0xFC;
	[tilespmem:s28+$0xFFFFF020] =	vst v9  }
0x9d: {  	v9 =	vld.idx.msk [tilespmem:v13+s14+$0x0], $0xffff;
	[tilespmem:s25+$0x1010] =	vst v8;
	s25 =	smov.u32 s28  }
0x9e: {  	s26 =	sadd.s32 $0x40, s26;
	v8 =	vld [tilespmem:s30+$0x0];
	[tilespmem:s28+$0xFFFFF000] =	vst v10  }
0x9f: {  	s31 =	sand.u32 $0xFC0, s26;
	v10 =	vld [tilespmem:s30+$0xFFFFFFE0];
	[tilespmem:s28+$0xFFFFF010] =	vst v11;
	v11 =	vadd.s32 $0x3000, v0  }
0xa0: {  	[tilespmem:s31+$0xE000] =	vst v12;
	v12 =	vld.idx.msk [tilespmem:v3+s14+$0x0], $0xffff;
	v0 =	vmov v14  }
0xa1: {  	v13 =	vadd.s32 $0x1000, v7;
	v3 =	vadd.s32 $0x2000, v7;
	v15 =	vadd.s32 $0x3000, v7;
	v16 =	vld.idx.msk [tilespmem:v6+s14+$0x0], $0xffff  }
0xa2: {  	v17 =	vld.idx.msk [tilespmem:v4+s14+$0x0], $0xffff  }
0xa3: {  	v18 =	vadd.s32 $0x1000, v8;
	v4 =	vadd.s32 $0x2000, v8;
	v19 =	vadd.s32 $0x3000, v8;
	v14 =	vld.idx.msk [tilespmem:v14+s14+$0x0], $0xffff;
	[tilespmem:s28+$0x20] =	vst v9  }
0xa4: {  	v20 =	vadd.s32 $0x1000, v10;
	v6 =	vadd.s32 $0x2000, v10;
	v9 =	vadd.s32 $0x3000, v10;
	v11 =	vld.idx.msk [tilespmem:v11+s14+$0x0], $0xffff  }
0xa5: {  	v22 =	vadd.s32 $0x1000, v0;
	v21 =	vld.idx.msk [tilespmem:v7+s14+$0x0], $0xffff  }
0xa6: {  	v23 =	vld.idx.msk [tilespmem:v8+s14+$0x0], $0xffff;
	[tilespmem:s28+$0x0] =	vst v12  }
0xa7: {  	v12 =	vld.idx.msk [tilespmem:v10+s14+$0x0], $0xffff;
	[tilespmem:s31+$0xF000] =	vst v16  }
0xa8: {  	s28 =	sadd.s32 $0x40, s28;
	v16 =	vld.idx.msk [tilespmem:v5+s14+$0x0], $0xffff;
	[tilespmem:s25+$0x10] =	vst v17;
	v5 =	vmov v9  }
0xa9: {  	[tilespmem:s28+$0xFFFFE020] =	vst v14;
	v7 =	vld.idx.msk [tilespmem:v1+s14+$0x0], $0xffff;
	v1 =	vmov v15  }
.Ltmp6:
0xaa: {  	v9 =	vld.idx.msk [tilespmem:v22+s14+$0x0], $0xffff;
	[tilespmem:s25+$0x1020] =	vst v11;
	(pc) =	sbr.rel @p0 .LBB2_9-.Ltmp6, $4  }
0xab: {  	[tilespmem:s28+$0xFFFFE000] =	vst v21;
	v8 =	vld.idx.msk [tilespmem:v2+s14+$0x0], $0xffff;
	v2 =	vmov v19  }
0xac: {  	v10 =	vld.idx.msk [tilespmem:v13+s14+$0x0], $0xffff;
	[tilespmem:s28+$0xFFFFE010] =	vst v23;
	v13 =	vadd.s32 $0x2000, v0  }
0xad: {  	[tilespmem:s28+$0xFFFFDFF0] =	vst v12;
	v11 =	vld.idx.msk [tilespmem:v18+s14+$0x0], $0xffff  }
0xae: {  	s30 =	sadd.s32 $0x40, s30;
	v12 =	vld.idx.msk [tilespmem:v20+s14+$0x0], $0xffff;
	[tilespmem:s31+$0x10000] =	vst v16  }
0xaf: {  	_ =	sdelay $0x2  }
0xb0: {  	[tilespmem:s28+$0xFFFFF020] =	vst v9  }
0xb1: {  	s26 =	sadd.s32 $0x40, s26;
	v9 =	vld.idx.msk [tilespmem:v13+s14+$0x0], $0xffff;
	[tilespmem:s28+$0xFFFFF000] =	vst v10  }
0xb2: {  	v0 =	vadd.s32 $0x3000, v0;
	s26 =	sand.u32 $0xFC0, s26;
	[tilespmem:s28+$0xFFFFF010] =	vst v11;
	v3 =	vld.idx.msk [tilespmem:v3+s14+$0x0], $0xffff  }
0xb3: {  	[tilespmem:s26+$0xE000] =	vst v12;
	v4 =	vld.idx.msk [tilespmem:v4+s14+$0x0], $0xffff  }
0xb4: {  	v6 =	vld.idx.msk [tilespmem:v6+s14+$0x0], $0xffff;
	_ =	sdelay $0x1  }
0xb5: {  	[tilespmem:s28+$0x20] =	vst v9  }
0xb6: {  	v0 =	vld.idx.msk [tilespmem:v0+s14+$0x0], $0xffff;
	[tilespmem:s28+$0x0] =	vst v3  }
0xb7: {  	[tilespmem:s28+$0x10] =	vst v4;
	v1 =	vld.idx.msk [tilespmem:v1+s14+$0x0], $0xffff  }
0xb8: {  	[tilespmem:s26+$0xF000] =	vst v6;
	v2 =	vld.idx.msk [tilespmem:v2+s14+$0x0], $0xffff  }
0xb9: {  	[tilespmem:s25+$0x1000] =	vst v7;
	v63 =	vld.idx.msk [tilespmem:v5+s14+$0x0], $0xffff  }
0xba: {  	p0 =	seq.s32 s22, $0x7F;
	[tilespmem:s25+$0x1010] =	vst v8  }
.Ltmp7:
0xbb: {  	[tilespmem:s28+$0x1020] =	vst v0;
	(pc) =	sbr.rel @p0 .LBB2_12-.Ltmp7, $4  }
0xbc: {  	[tilespmem:s28+$0x1000] =	vst v1  }
0xbd: {  	s24 =	sadd.s32 s24, s6;
	[tilespmem:s28+$0x1010] =	vst v2  }
0xbe: {  	s24 =	sadd.s32 $0x800, s24;
	[tilespmem:s26+$0x10000] =	vst v63  }
0xbf: {  	[hbm4b:s24+s4] =	stream.linear.scatter [tilespmem:s19], [sflag:$0x4], $0x4000, $0x38;
	[tilespmem:$0x11000] =	vst v63  }
.Ltmp8:
0xc0: {  	(pc) =	sbr.rel .LBB2_2-.Ltmp8, $4  }
0xc1: {  	s23 =	sadd.s32 s23, s10  }
0xc2: {  	s23 =	sshrl.u32 s23, $0x3  }
0xc3: {  	s22 =	sadd.s32 $0x1, s22;
	s23 =	sadd.s32 s1, s23  }
0xc4: {  	[tilespmem:s14], [sflag:$0x2] =	stream.linear.gather [hbm4b:s23+s4], $0x4000, $0x38;
	[tilespmem:$0x11000] =	vst v63  }
.LBB2_13:
0xc5: {  	_ =	sfence.sel $0x180000  }
0xc6: {  	[bflag:$0x0] =	sbarrier.arrive $0xFFFF  }
0xc7: {  	p0 =	sne.s32 s2, $0x0;
	_ =	strace $0x9000004A  }
0xc8: {  	s0 =	sadd.s32 @!p0 $0x100000, s0;
	[bflag:$0x2] =	sbarrier.arrive $0xFFFF  }
0xc9: {  	[sflag:s0] =	ssyncadd.tile.s32 @!p0 $0x1;
	_ =	shalt  }
.Lfunc_end2:
_tile_overlayer_lowered:
.L_overlay_start_2:
0xca: {  	(tag) =	ssettag $0x2  }
0xcb: {  	s0 =	rddreg [dreg:$0x0];
	s2 =	stileid.u32  }
0xcc: {  	s1 =	rddreg [dreg:$0x1];
	p0 =	sne.s32 s2, $0x0  }
0xcd: {  	s3 =	rddreg [dreg:$0x2];
	[bflag:$0x3] =	sbarrier.arrive $0xFFFF;
	s2 =	simm.s32 @!p0 $0x1C05  }
0xce: {  	[timem:s3], [sflag:s2] =	dma.local @!p0 [hbm:s0], s1  }
0xcf: {  	s0 =	simm.s32 @!p0 $0x5  }
0xd0: {  	_ =	swait.ge @!p0 [sflag:s0], s1  }
0xd1: {  	s1 =	ssub.s32 @!p0 $0x0, s1;
	[sflag:s0] =	ssyncset.done @!p0 $0x0  }
0xd2: {  	[sflag:s0] =	ssyncadd.s32 @!p0 s1  }
0xd3: {  	[bflag:$0x3] =	sbarrier.arrive $0xFFFF  }
0xd4: {  	_ =	shalt  }

// kernel: sparse-core-data-format-call.cloned.1.call-start
scs
called_computation_lowered:
.L_overlay_start_0:
0x0: {  	s2 =	sld [smem:$0x3FD9]  }
0x1: {  	s3 =	sld [smem:$0x3FFE];
	_ =	sdelay $0x1  }
0x2: {  	s1 =	srdreg.scid  }
0x3: {  	s0 =	sand.u32 $0x1, s1  }
0x4: {  	s19 =	sshll.u32 s0, $0xA;
	s2 =	sadd.s32 s3, s2  }
0x5: {  	s2 =	sadd.s32 s2, s19  }
0x6: {  	[smem:$0x3FC6] =	sst s2  }
0x7: {  	_ = 	snop  }
0x8: {  	s2 =	sld [smem:$0x3FC9]  }
0x9: {  	s20 =	sld [smem:$0x3FD0];
	(tm) =	ssettm $0x1  }
0xa: {  	s4 =	sld [smem:$0x3FFB];
	_ =	sdelay $0x3  }
0xb: {  	_ =	strace s4  }
0xc: {  	s4 =	sld [smem:$0x3FFC];
	_ =	sdelay $0x3  }
0xd: {  	_ =	strace s4  }
0xe: {  	s4 =	sld [smem:$0x3FFD];
	_ =	sdelay $0x3  }
0xf: {  	_ =	strace s4  }
0x10: {  	_ =	strace $0x8FFFFFFF  }
0x11: {  	s21 =	sld [smem:$0x3FDB];
	_ =	sdelay $0x1  }
0x12: {  	s5 =	simm.s32 $_scs_section_size  }
0x13: {  	s6 =	simm.s32 $_size__tile_overlayer_lowered;
	s7 =	simm.s32 $_tile_overlayer_lowered  }
0x14: {  	s24 =	simm.s32 $0x1BFF;
	s23 =	sshll.u32 s7, $0x1;
	s4 =	sadd.s32 s5, s21  }
0x15: {  	s8 =	simm.s32 $0x0;
	s22 =	sshll.u32 s6, $0x1;
	s6 =	sadd.s32 s23, s4  }
0x16: {  	[timem:s8], [sflag:s24] =	dma.local [hbm:s6], s22  }
0x17: {  	_ =	swait.ge [sflag:s24], s22  }
0x18: {  	s5 =	ssub.s32 $0x0, s22;
	[sflag:s24] =	ssyncset.done $0x0  }
0x19: {  	[sflag:s24] =	ssyncadd.s32 s5;
	_ =	sdelay $0x1  }
0x1a: {  	s25 =	simm.s32 $0x1B8B  }
0x1b: {  	_ =	swait.ge [sflag:s25], $0x1  }
0x1c: {  	[sflag:s25] =	ssyncset.done $0x0  }
0x1d: {  	s26 =	simm.s32 $0x1B8E;
	[sflag:s25] =	ssyncadd.s32 $0xFFFFFFFF  }
0x1e: {  	s27 =	simm.s32 $execute0_lowered;
	[smem:$0x3FD2] =	sst s26  }
0x1f: {  	s5 =	sshll.u32 s27, $0x1;
	_ =	strace $0x80000046;
	[dreg:$0x1] =	wrdreg $0xFFFFFFFF  }
0x20: {  	s28 =	simm.s32 $_size_execute0_lowered;
	s4 =	sadd.s32 s4, s5;
	[dreg:$0x0] =	wrdreg $0x0  }
0x21: {  	s5 =	sshll.u32 s28, $0x1;
	[dreg:$0x2] =	wrdreg s4  }
0x22: {  	[dreg:$0x3] =	wrdreg s5  }
0x23: {  	[dreg:$0x4] =	wrdreg $0xC0  }
0x24: {  	_ =	task [dreg:s8], $0x5FFFF  }
0x25: {  	[dreg:$0x1] =	wrdreg $0xFFFFFFFF  }
0x26: {  	[dreg:$0x0] =	wrdreg $0x60  }
0x27: {  	[dreg:$0x2] =	wrdreg s2  }
0x28: {  	[dreg:$0x3] =	wrdreg s20  }
0x29: {  	[dreg:$0x4] =	wrdreg $0x9  }
0x2a: {  	_ =	task.clear_ibuf [dreg:s8], $0x5FFFF;
	_ =	strace $0x90000046  }
0x2b: {  	s29 =	simm.s32 $0x9;
	_ =	strace $0x80000048  }
0x2c: {  	_ =	swait.ge [sflag:s29], $0x1  }
0x2d: {  	[sflag:s29] =	ssyncadd.s32 $0xFFFFFFFF  }
0x2e: {  	_ =	strace $0x90000048  }
0x2f: {  	_ =	sfence  }
0x30: {  	s30 =	sld [smem:$0x0];
	_ =	sdelay $0x2  }
0x31: {  	s31 =	sshll.u32 s1, $0xD;
	s1 =	sshrl.u32 s1, $0x2  }
0x32: {  	s3 =	sand.u32 $0x4000, s31;
	s1 =	sadd.s32 s1, s30  }
0x33: {  	s0 =	sor.u32 s3, s0;
	s1 =	sshll.u32 s1, $0x11  }
0x34: {  	s0 =	sor.u32 s1, s0  }
0x35: {  	s0 =	sadd.s32 $0x8F2B, s0  }
0x36: {  	[sflag:s0] =	ssyncadd.remote.s32 $0x1  }
0x37: {  	_ =	sfence.sel $0xFFFF  }
0x38: {  	[dreg:$0x0] =	wrdreg $0xFFFFFFFF;
	(pc) =	sbr.abs _section_cstart, $3  }
0x39: {  	[dreg:$0x1] =	wrdreg $0xFFFFFFFF  }
0x3a: {  	_ =	task.clear_ibuf [dreg:s8], $0x2FFFF;
	_ =	strace $0x9FFFFFFF  }
0x3b: {  	(tm) =	ssettm $0x7FFFFFFF  }
tec
execute0_lowered:
.L_overlay_start_1:
0x0: {  	(tag) =	ssettag $0x1  }
0x1: {  	s2 =	rddreg [dreg:$0x0]  }
0x2: {  	s3 =	rddreg [dreg:$0x1]  }
0x3: {  	s0 =	rddreg [dreg:$0x2];
	_ =	strace $0x80000047  }
0x4: {  	s4 =	srdreg.scid;
	s1 =	stileid.u32;
	s6 =	simm.s32 $0x2  }
.Ltmp0:
0x5: {  	s11 =	simm.s32 $0x0;
	p0 =	por $0x0, $0x0;
	(pc) =	sbr.rel .LBB1_1-.Ltmp0, $4  }
0x6: {  	s7 =	simm.s32 $0x1000;
	s12 =	simm.s32 $0x0;
	s5 =	sshll.u32 s4, $0x4  }
0x7: {  	s9 =	simm.s32 $0x0;
	s4 =	simm.s32 $0x1;
	s5 =	sand.u32 $0x10, s5  }
0x8: {  	s8 =	simm.s32 $0x0;
	[sflag:s4] =	ssyncpa.u1 $0x0;
	s5 =	sor.u32 s1, s5  }
0x9: {  	[sflag:s6] =	ssyncpa.u1 $0x0;
	s6 =	simm.s32 $0x800;
	s10 =	smov.u32 s5  }
.LBB1_7:
0xa: {  	s13 =	sadd.s32 $0x10, s9  }
0xb: {  	s11 =	sadd.s32 $0x20, s10;
	s15 =	smov.u32 s10;
	p2 =	sgt.s32 s13, $0x1F  }
0xc: {  	p1 =	slt.u32 s8, $0x2;
	s15 =	smov.u32 @p2 s11  }
0xd: {  	s8 =	sadd.s32 $0x1, s8;
	s13 =	simm.s32 @p2 $0x0;
	p2 =	sgt.s32 s15, $0xFFF  }
0xe: {  	s15 =	smov.u32 @p2 s5;
	p2 =	sne.s32 s8, $0x102  }
.Ltmp1:
0xf: {  	_ = 	snop;
	(pc) =	sbr.rel @!p2 .LBB1_8-.Ltmp1, $4  }
0x10: {  	s14 =	simm.s32 @!p1 $0x2  }
0x11: {  	s12 =	smov.u32 s10;
	_ =	swait.ge @!p1 [sflag:s14], $0x4000  }
0x12: {  	p0 =	por !p0, !p0;
	s11 =	smov.u32 s9;
	[sflag:s14] =	ssyncset.done @!p1 $0x0  }
0x13: {  	s9 =	smov.u32 s13;
	[sflag:s14] =	ssyncadd.s32 @!p1 $0xFFFFC000;
	s10 =	smov.u32 s15  }
.LBB1_1:
0x14: {  	p1 =	sgt.u32 s8, $0xFF  }
0x15: {  	s13 =	sxor.u32 @!p1 $0xFFFFFFFF, s8;
	s14 =	sshll.u32 @!p1 s10, $0xC  }
0x16: {  	s15 =	sshll.u32 @!p1 s9, $0x7;
	s13 =	sshll.u32 @!p1 s13, $0xE;
	s14 =	sadd.s32 @!p1 s2, s14  }
0x17: {  	s13 =	sand.u32 @!p1 $0x4000, s13;
	s14 =	sadd.s32 @!p1 s15, s14;
	s15 =	simm.s32 @!p1 $0x0  }
0x18: {  	[tilespmem:s13], [sflag:$0x1] =	stream.linear.gather @!p1 [hbm4b:s14+s15], $0x4000, $0x38;
	[tilespmem:$0x10000] =	vst v63  }
0x19: {  	p1 =	seq.s32 s8, $0x0  }
0x1a: {  	p2 =	seq.s32 @!p1 s8, $0x101  }
0x1b: {  	p1 =	por p1, p2  }
.Ltmp2:
0x1c: {  	_ = 	snop;
	(pc) =	sbr.rel @p1 .LBB1_7-.Ltmp2, $1  }
0x1d: {  	_ =	sdelay $0x3  }
0x1e: {  	s13 =	simm.s32 $0x1;
	_ =	swait.ge [sflag:s4], $0x4000;
	s16 =	sshll.u32 s8, $0xE  }
0x1f: {  	s13 =	simm.s32 @!p0 $0x0;
	[sflag:s4] =	ssyncset.done $0x0;
	s31 =	sand.u32 $0x4000, s16  }
0x20: {  	s16 =	simm.s32 $0x0;
	s14 =	sshll.u32 s13, $0xE;
	[sflag:s4] =	ssyncadd.s32 $0xFFFFC000  }
0x21: {  	s13 =	sor.u32 $0x8040, s14;
	s15 =	sor.u32 $0x40, s14;
	s14 =	sor.u32 $0x8000, s31  }
.LBB1_3:
0x22: {  	v0 =	vmov s15;
	_ =	sdelay $0x3  }
0x23: {  	s18 =	simm.s32 $0x0  }
0x24: {  	v6 =	vld.idx.msk [tilespmem:v0+s18+$0x30 ss:$0x1], $0xffff  }
0x25: {  	v7 =	vld.idx.msk [tilespmem:v0+s18+$0xFFFFFFC0 ss:$0x1], $0xffff  }
0x26: {  	v5 =	vld.idx.msk [tilespmem:v0+s18+$0xFFFFFFD0 ss:$0x1], $0xffff  }
0x27: {  	v4 =	vld.idx.msk [tilespmem:v0+s18+$0xFFFFFFE0 ss:$0x1], $0xffff  }
0x28: {  	v3 =	vld.idx.msk [tilespmem:v0+s18+$0xFFFFFFF0 ss:$0x1], $0xffff  }
0x29: {  	v1 =	vld.idx.msk [tilespmem:v0+s18+$0x0 ss:$0x1], $0xffff  }
0x2a: {  	v2 =	vld.idx.msk [tilespmem:v0+s18+$0x10 ss:$0x1], $0xffff;
	[tilespmem:s13+$0x30] =	vst v6  }
0x2b: {  	s17 =	simm.s32 $0x80;
	s19 =	simm.s32 $0x400;
	[tilespmem:s13+$0xFFFFFFC0] =	vst v7;
	v6 =	vld.idx.msk [tilespmem:v0+s18+$0x20 ss:$0x1], $0xffff;
	s18 =	smov.u32 s13  }
.LBB1_4:
0x2c: {  	p1 =	sne.s32 s19, $0xE00;
	v7 =	vld.idx.msk [tilespmem:v0+s17+$0x30 ss:$0x1], $0xffff;
	[tilespmem:s18+$0xFFFFFFD0] =	vst v5  }
0x2d: {  	v8 =	vld.idx.msk [tilespmem:v0+s17+$0xFFFFFFC0 ss:$0x1], $0xffff;
	[tilespmem:s18+$0xFFFFFFE0] =	vst v4  }
0x2e: {  	v5 =	vld.idx.msk [tilespmem:v0+s17+$0xFFFFFFD0 ss:$0x1], $0xffff;
	[tilespmem:s18+$0xFFFFFFF0] =	vst v3  }
.Ltmp3:
0x2f: {  	v4 =	vld.idx.msk [tilespmem:v0+s17+$0xFFFFFFE0 ss:$0x1], $0xffff;
	[tilespmem:s18+$0x0] =	vst v1;
	(pc) =	sbr.rel @p1 .LBB1_4-.Ltmp3, $4  }
0x30: {  	v3 =	vld.idx.msk [tilespmem:v0+s17+$0xFFFFFFF0 ss:$0x1], $0xffff;
	[tilespmem:s18+$0x10] =	vst v2  }
0x31: {  	v1 =	vld.idx.msk [tilespmem:v0+s17+$0x0 ss:$0x1], $0xffff;
	[tilespmem:s18+$0x20] =	vst v6;
	s18 =	sadd.s32 $0x800, s18  }
0x32: {  	v2 =	vld.idx.msk [tilespmem:v0+s17+$0x10 ss:$0x1], $0xffff;
	[tilespmem:s18+$0x30] =	vst v7  }
0x33: {  	[tilespmem:s18+$0xFFFFFFC0] =	vst v8;
	v6 =	vld.idx.msk [tilespmem:v0+s17+$0x20 ss:$0x1], $0xffff;
	s17 =	sshra.s32 s19, $0x2;
	s19 =	sadd.s32 $0x200, s19  }
0x34: {  	_ =	sdelay $0x2  }
0x35: {  	[tilespmem:s18+$0xFFFFFFD0] =	vst v5  }
0x36: {  	v56 =	vld.idx.msk [tilespmem:v0+s17+$0x30 ss:$0x1], $0xffff;
	[tilespmem:s18+$0xFFFFFFE0] =	vst v4  }
0x37: {  	v57 =	vld.idx.msk [tilespmem:v0+s17+$0xFFFFFFC0 ss:$0x1], $0xffff;
	[tilespmem:s18+$0xFFFFFFF0] =	vst v3  }
0x38: {  	v58 =	vld.idx.msk [tilespmem:v0+s17+$0xFFFFFFD0 ss:$0x1], $0xffff;
	[tilespmem:s18+$0x0] =	vst v1  }
0x39: {  	v59 =	vld.idx.msk [tilespmem:v0+s17+$0xFFFFFFE0 ss:$0x1], $0xffff;
	[tilespmem:s18+$0x10] =	vst v2  }
0x3a: {  	v60 =	vld.idx.msk [tilespmem:v0+s17+$0xFFFFFFF0 ss:$0x1], $0xffff;
	s31 =	sadd.s32 $0x800, s18;
	[tilespmem:s18+$0x20] =	vst v6  }
0x3b: {  	v61 =	vld.idx.msk [tilespmem:v0+s17+$0x0 ss:$0x1], $0xffff;
	[tilespmem:s31+$0x30] =	vst v56  }
0x3c: {  	v62 =	vld.idx.msk [tilespmem:v0+s17+$0x10 ss:$0x1], $0xffff;
	s16 =	sadd.s32 $0x1, s16;
	[tilespmem:s31+$0xFFFFFFC0] =	vst v57  }
0x3d: {  	v63 =	vld.idx.msk [tilespmem:v0+s17+$0x20 ss:$0x1], $0xffff;
	p1 =	sne.s32 s16, $0x10;
	[tilespmem:s31+$0xFFFFFFD0] =	vst v58  }
.Ltmp4:
0x3e: {  	[tilespmem:s31+$0xFFFFFFE0] =	vst v59;
	(pc) =	sbr.rel @p1 .LBB1_3-.Ltmp4, $4  }
0x3f: {  	[tilespmem:s31+$0xFFFFFFF0] =	vst v60  }
0x40: {  	[tilespmem:s31+$0x0] =	vst v61  }
0x41: {  	[tilespmem:s31+$0x10] =	vst v62  }
0x42: {  	s13 =	sadd.s32 $0x80, s13;
	s15 =	sadd.s32 $0x400, s15;
	[tilespmem:s31+$0x20] =	vst v63  }
.Ltmp5:
0x43: {  	(pc) =	sbr.rel .LBB1_7-.Ltmp5, $4  }
0x44: {  	s12 =	sshll.u32 s12, $0xC;
	s11 =	sshll.u32 s11, $0x4  }
0x45: {  	s11 =	sand.u32 $0x1F0, s11;
	s12 =	sadd.s32 s3, s12  }
0x46: {  	s11 =	sadd.s32 s11, s12  }
0x47: {  	[hbm4b:s11+s6] =	stream.strided.scatter [tilespmem:s14], [sflag:$0x2], $0x4000, s7, s6, $0x38;
	[tilespmem:$0x10000] =	vst v63  }
.LBB1_8:
0x48: {  	_ =	sfence.sel $0x180000  }
0x49: {  	s2 =	simm.s32 $0x1;
	[bflag:$0x0] =	sbarrier.arrive $0xFFFF  }
0x4a: {  	s31 =	simm.s32 $0x2;
	[sflag:s2] =	ssyncpa.u1 $0x1  }
0x4b: {  	[sflag:s31] =	ssyncpa.u1 $0x1  }
0x4c: {  	p0 =	sne.s32 s1, $0x0;
	_ =	strace $0x90000047  }
0x4d: {  	s0 =	sadd.s32 @!p0 $0x100000, s0;
	[bflag:$0x2] =	sbarrier.arrive $0xFFFF  }
0x4e: {  	[sflag:s0] =	ssyncadd.tile.s32 @!p0 $0x1;
	_ =	shalt  }
.Lfunc_end1:
_tile_overlayer_lowered:
.L_overlay_start_2:
0x4f: {  	(tag) =	ssettag $0x2  }
0x50: {  	s0 =	rddreg [dreg:$0x0];
	s2 =	stileid.u32  }
0x51: {  	s1 =	rddreg [dreg:$0x1];
	p0 =	sne.s32 s2, $0x0  }
0x52: {  	s3 =	rddreg [dreg:$0x2];
	[bflag:$0x3] =	sbarrier.arrive $0xFFFF;
	s2 =	simm.s32 @!p0 $0x1C01  }
0x53: {  	[timem:s3], [sflag:s2] =	dma.local @!p0 [hbm:s0], s1  }
0x54: {  	s0 =	simm.s32 @!p0 $0x1  }
0x55: {  	_ =	swait.ge @!p0 [sflag:s0], s1  }
0x56: {  	s1 =	ssub.s32 @!p0 $0x0, s1;
	[sflag:s0] =	ssyncset.done @!p0 $0x0  }
0x57: {  	[sflag:s0] =	ssyncadd.s32 @!p0 s1  }
0x58: {  	[bflag:$0x3] =	sbarrier.arrive $0xFFFF  }
0x59: {  	_ =	shalt  }

</sc_bundles>
